<compile_context>
chip_gen: v7x
topology: tpu7x:2x2x1
jax: 0.10.2.dev20260603
libtpu: 0.0.44.dev20260713+nightly
codegen_flags: <defaults>
</compile_context>

<pallas_src>
import functools

import jax
import jax.numpy as jnp
from jax import lax
from jax.experimental import pallas as pl
from jax.experimental.pallas import tpu as pltpu
from jax.experimental.pallas import tpu_sc as plsc

_M = 0.25
_GAMMA = 64.0
_EPS = 1e-6
_D = 131072
_NS = 16
_CHUNK = _D // _NS
_UNROLL = 8


def _sc_loss_terms(anchor4d, negative4d, labels2):
    mesh = plsc.VectorSubcoreMesh(core_axis_name="c", subcore_axis_name="s")

    @functools.partial(
        pl.kernel,
        out_type=jax.ShapeDtypeStruct((2, 16), jnp.float32),
        mesh=mesh,
        scratch_types=[
            pltpu.VMEM((16,), jnp.int32),
            pltpu.VMEM((_CHUNK,), jnp.float32),
            pltpu.VMEM((_CHUNK,), jnp.float32),
            pltpu.VMEM((16,), jnp.float32),
            pltpu.VMEM((16,), jnp.int32),
            pltpu.VMEM_SHARED((16,), jnp.float32),
        ] + [pltpu.SemaphoreType.DMA] * 4,
    )
    def body(a_hbm, n_hbm, lab_hbm, out_hbm, lab_v, a_v, n_v,
             acc_v, eidx_v, shared, *sems):
        cid = lax.axis_index("c")
        sid = lax.axis_index("s")
        pltpu.sync_copy(lab_hbm, lab_v.at[pl.ds(0, 2)])
        @pl.when(sid == 0)
        def _():
            acc_v[...] = jnp.zeros((16,), jnp.float32)
            pltpu.sync_copy(acc_v, shared)
        lv = lab_v[...]
        e = (lv[0] != lv[1]).astype(jnp.int32)
        i = cid * e
        j = (1 - cid) * e
        off = sid * _CHUNK
        half = _CHUNK // 2
        cp_a0 = pltpu.async_copy(
            a_hbm.at[i, j, j, pl.ds(off, half)],
            a_v.at[pl.ds(0, half)], sems[0])
        cp_n0 = pltpu.async_copy(
            n_hbm.at[i, j, j, pl.ds(off, half)],
            n_v.at[pl.ds(0, half)], sems[1])
        cp_a1 = pltpu.async_copy(
            a_hbm.at[i, j, j, pl.ds(off + half, half)],
            a_v.at[pl.ds(half, half)], sems[2])
        cp_n1 = pltpu.async_copy(
            n_hbm.at[i, j, j, pl.ds(off + half, half)],
            n_v.at[pl.ds(half, half)], sems[3])

        def step(i, accs):
            base = pl.multiple_of(i * (16 * _UNROLL), 16 * _UNROLL)
            new = []
            for j in range(_UNROLL):
                a = a_v[pl.ds(base + j * 16, 16)]
                n = n_v[pl.ds(base + j * 16, 16)]
                d = a - n + _EPS
                new.append(accs[j] + d * d)
            return tuple(new)

        nsteps = half // (16 * _UNROLL)
        cp_a0.wait()
        cp_n0.wait()
        accs = lax.fori_loop(0, nsteps, step,
                             (jnp.zeros((16,), jnp.float32),) * _UNROLL)
        cp_a1.wait()
        cp_n1.wait()
        accs = lax.fori_loop(nsteps, 2 * nsteps, step, accs)
        acc = accs[0]
        for j in range(1, _UNROLL):
            acc = acc + accs[j]
        acc_v[...] = acc
        eidx_v[...] = lax.iota(jnp.int32, 16)
        plsc.subcore_barrier()
        pltpu.sync_copy(acc_v, shared.at[eidx_v], add=True)
        plsc.subcore_barrier()

        @pl.when(sid == 0)
        def _():
            pltpu.sync_copy(shared, acc_v)
            tot = acc_v[...]
            lane = lax.iota(jnp.int32, 16)
            for sh in (8, 4, 2, 1):
                tot = tot + tot.at[lane ^ sh].get(mode="promise_in_bounds")
            y16 = jnp.maximum(_GAMMA * (tot - _M * _M), 0.0)
            t = jnp.exp(-y16)
            z = t * (1.0 - t * (0.5 - t * (1.0 / 3.0 - t * 0.25)))
            for _ in range(3):
                z = z - 1.0 + (1.0 + t) * jnp.exp(-z)
            acc_v[...] = y16 + z
            pltpu.sync_copy(acc_v, out_hbm.at[cid])

    return body(anchor4d, negative4d, labels2)


def kernel(anchor, positive, negative, labels):
    del positive
    terms = _sc_loss_terms(anchor, negative, labels.astype(jnp.int32))
    return 0.5 * (terms[0, 0] + terms[1, 0])

# --- scband reference (transcript-rebuilt; emitter-appended) ---
"""Pipeline reference for scband-circle-triple-loss1-11948599017689 (READ-ONLY COPY).

The authoritative reference and input builder live on the scoring server;
editing this copy changes nothing except your own understanding.
"""

import jax, jax.numpy as jnp
import numpy as np

M = 0.25
GAMMA = 64.0
D = 131072


def _pairwise_distance(x1, x2, eps=1e-6):
    # matches torch.pairwise_distance(x1, x2, p=2, eps=1e-6): ||x1 - x2 + eps||_2 over last dim
    return jnp.sqrt(jnp.sum(jnp.square(x1 - x2 + eps), axis=-1))


def setup_inputs(seed: int = 0):
    key = jax.random.key(seed)
    k1, k2, k3 = jax.random.split(key, 3)
    anchor = jax.random.normal(k1, (2, 2, 2, D), dtype=jnp.float32)
    positive = jax.random.normal(k2, (2, 2, 2, D), dtype=jnp.float32)
    negative = jax.random.normal(k3, (2, 2, 2, D), dtype=jnp.float32)
    labels = jnp.arange(2)
    return {"anchor": anchor, "positive": positive, "negative": negative, "labels": labels}


def reference(anchor, positive, negative, labels):
    lab = labels
    diff = lab[:, None] - lab[None, :]
    mask_p = diff == 0
    mask_n = diff != 0
    # torch boolean-mask indexing over leading dims == gather at nonzero positions (row-major)
    n = lab.shape[0]
    pi, pj = jnp.nonzero(mask_p, size=n)
    ni, nj = jnp.nonzero(mask_n, size=n)
    dist_ap = _pairwise_distance(anchor[pi, pj], positive[pi, pj])  # [K_p, 2]
    dist_an = _pairwise_distance(anchor[ni, nj], negative[ni, nj])  # [K_n, 2]
    ap = jnp.maximum(-dist_ap + M, 0.0)
    an = jnp.maximum(dist_an + M, 0.0)
    delta_p = 1.0 - M
    delta_n = M
    logit_p = -ap * (dist_ap - delta_p) * GAMMA  # [2, 2]
    logit_n = an * (dist_an - delta_n) * GAMMA   # [2, 2]
    sel_n = logit_n[ni, nj]                      # [2]
    zeros_p = jnp.zeros_like(logit_p[pi, pj])    # [2]
    loss = jnp.mean(jax.nn.softplus(jnp.maximum(sel_n, zeros_p)))
    return loss

if __name__ == "__main__":
    import jax
    _d = setup_inputs()
    print(jax.jit(kernel)(*tuple(_d.values())))

</pallas_src>

<mosaic_0001>
#map = affine_map<(d0, d1) -> (0, 0, 0, 0)>
#map1 = affine_map<(d0, d1) -> (0)>
#map2 = affine_map<(d0, d1) -> (0, 0)>
module attributes {stable_mosaic.version = 14 : i64} {
  func.func @body(%arg0: i32, %arg1: i32, %arg2: memref<2x2x2x131072xf32, #tpu.memory_space<hbm>>, %arg3: memref<2x2x2x131072xf32, #tpu.memory_space<hbm>>, %arg4: memref<2xi32, #tpu.memory_space<hbm>>, %arg5: memref<2x16xf32, #tpu.memory_space<hbm>>, %arg6: memref<16xi32, #tpu.memory_space<vmem>>, %arg7: memref<8192xf32, #tpu.memory_space<vmem>>, %arg8: memref<8192xf32, #tpu.memory_space<vmem>>, %arg9: memref<16xf32, #tpu.memory_space<vmem>>, %arg10: memref<16xi32, #tpu.memory_space<vmem>>, %arg11: memref<16xf32, #tpu.memory_space<vmem_shared>>, %arg12: memref<!tpu.dma_semaphore, #tpu.memory_space<semaphore_mem>>, %arg13: memref<!tpu.dma_semaphore, #tpu.memory_space<semaphore_mem>>, %arg14: memref<!tpu.dma_semaphore, #tpu.memory_space<semaphore_mem>>, %arg15: memref<!tpu.dma_semaphore, #tpu.memory_space<semaphore_mem>>) attributes {dimension_semantics = [#tpu.dimension_semantics<core_parallel>, #tpu.dimension_semantics<subcore_parallel>], iteration_bounds = array<i64: 2, 16>, scalar_prefetch = 0 : i64, scratch_operands = 10 : i64, tpu.core_type = #tpu.core_type<sc_vector_subcore>, window_params = [{transform_indices = #map}, {transform_indices = #map}, {transform_indices = #map1}, {transform_indices = #map2}]} {
    "tpu.region"() ({
      %run_scoped3A = tpu.sem_alloc : memref<!tpu.dma_semaphore, #tpu.memory_space<semaphore_mem>>
      %dma_start3A_108 = arith.constant 0 : i32
      %dma_start3A_109 = tpu.memref_slice %arg6[%dma_start3A_108] : memref<16xi32, #tpu.memory_space<vmem>> -> memref<2xi32, #tpu.memory_space<vmem>>
      %dma_start3A_110 = arith.constant 0 : i32
      %dma_start3A_111 = tpu.memref_slice %arg6[%dma_start3A_110] : memref<16xi32, #tpu.memory_space<vmem>> -> memref<2xi32, #tpu.memory_space<vmem>>
      tpu.enqueue_dma source(%arg4 : memref<2xi32, #tpu.memory_space<hbm>>) target(%dma_start3A_111 : memref<2xi32, #tpu.memory_space<vmem>>) target_semaphore(%run_scoped3A : memref<!tpu.dma_semaphore, #tpu.memory_space<semaphore_mem>>)
      %dma_wait3A_112 = arith.constant 0 : i32
      %dma_wait3A_113 = tpu.memref_slice %arg6[%dma_wait3A_112] : memref<16xi32, #tpu.memory_space<vmem>> -> memref<2xi32, #tpu.memory_space<vmem>>
      %dma_wait3A_114 = arith.constant 0 : i32
      %dma_wait3A_115 = tpu.memref_slice %arg6[%dma_wait3A_114] : memref<16xi32, #tpu.memory_space<vmem>> -> memref<2xi32, #tpu.memory_space<vmem>>
      tpu.wait_dma2 semaphore(%run_scoped3A : memref<!tpu.dma_semaphore, #tpu.memory_space<semaphore_mem>>) src(%arg4 : memref<2xi32, #tpu.memory_space<hbm>>) dst(%dma_wait3A_115 : memref<2xi32, #tpu.memory_space<vmem>>)
      tpu.yield
    }) : () -> ()
    %eq3A = arith.constant 0 : i32
    %eq3A_0 = arith.cmpi eq, %arg1, %eq3A : i32
    %convert_element_type3A = arith.extui %eq3A_0 : i1 to i32
    %cond3A = arith.constant 0 : i32
    %cond3A_1 = arith.cmpi ne, %convert_element_type3A, %cond3A : i32
    scf.if %cond3A_1 {
      %broadcast_in_dim3A_108 = arith.constant 0.000000e+00 : f32
      %broadcast_in_dim3A_109 = vector.broadcast %broadcast_in_dim3A_108 : f32 to vector<16xf32>
      %swap3A_110 = arith.constant 0 : index
      %swap3A_111 = tpu.vector_load %arg9[%swap3A_110] {strides = array<i32>} : memref<16xf32, #tpu.memory_space<vmem>>, vector<16xf32>,
      %swap3A_112 = vector.shape_cast %swap3A_111 : vector<16xf32> to vector<16xf32>
      %swap3A_113 = vector.shape_cast %broadcast_in_dim3A_109 : vector<16xf32> to vector<16xf32>
      tpu.vector_store %arg9[%swap3A_110], %swap3A_113 {strides = array<i32>} : memref<16xf32, #tpu.memory_space<vmem>>, vector<16xf32>,
      "tpu.region"() ({
        %run_scoped3A = tpu.sem_alloc : memref<!tpu.dma_semaphore, #tpu.memory_space<semaphore_mem>>
        tpu.enqueue_dma source(%arg9 : memref<16xf32, #tpu.memory_space<vmem>>) target(%arg11 : memref<16xf32, #tpu.memory_space<vmem_shared>>) target_semaphore(%run_scoped3A : memref<!tpu.dma_semaphore, #tpu.memory_space<semaphore_mem>>)
        tpu.wait_dma2 semaphore(%run_scoped3A : memref<!tpu.dma_semaphore, #tpu.memory_space<semaphore_mem>>) src(%arg9 : memref<16xf32, #tpu.memory_space<vmem>>) dst(%arg11 : memref<16xf32, #tpu.memory_space<vmem_shared>>)
        tpu.yield
      }) : () -> ()
    } else {
    }
    %get3A = arith.constant 0 : index
    %get3A_2 = tpu.vector_load %arg6[%get3A] {strides = array<i32>} : memref<16xi32, #tpu.memory_space<vmem>>, vector<16xi32>,
    %get3A_3 = vector.shape_cast %get3A_2 : vector<16xi32> to vector<16xi32>
    %slice3A = vector.extract_strided_slice %get3A_3 {offsets = [0], sizes = [1], strides = [1]} : vector<16xi32> to vector<1xi32>
    %squeeze3A = vector.extract %slice3A[0] : i32 from vector<1xi32>
    %slice3A_4 = vector.extract_strided_slice %get3A_3 {offsets = [1], sizes = [1], strides = [1]} : vector<16xi32> to vector<1xi32>
    %squeeze3A_5 = vector.extract %slice3A_4[0] : i32 from vector<1xi32>
    %ne3A = arith.cmpi ne, %squeeze3A, %squeeze3A_5 : i32
    %convert_element_type3A_6 = arith.extui %ne3A : i1 to i32
    %mul3A = arith.muli %arg0, %convert_element_type3A_6 : i32
    %sub3A = arith.constant 1 : i32
    %sub3A_7 = arith.subi %sub3A, %arg0 : i32
    %mul3A_8 = arith.muli %sub3A_7, %convert_element_type3A_6 : i32
    %mul3A_9 = arith.constant 8192 : i32
    %mul3A_10 = arith.muli %arg1, %mul3A_9 : i32
    %dma_start3A = arith.constant 0 : i32
    %dma_start3A_11 = tpu.memref_slice %arg7[%dma_start3A] : memref<8192xf32, #tpu.memory_space<vmem>> -> memref<4096xf32, #tpu.memory_space<vmem>>
    %dma_start3A_12 = tpu.memref_slice %arg2[%mul3A, %mul3A_8, %mul3A_8, %mul3A_10] : memref<2x2x2x131072xf32, #tpu.memory_space<hbm>> -> memref<1x1x1x4096xf32, #tpu.memory_space<hbm>>
    %dma_start3A_13 = tpu.memref_squeeze %dma_start3A_12 : memref<1x1x1x4096xf32, #tpu.memory_space<hbm>> -> memref<4096xf32, #tpu.memory_space<hbm>>
    %dma_start3A_14 = arith.constant 0 : i32
    %dma_start3A_15 = tpu.memref_slice %arg7[%dma_start3A_14] : memref<8192xf32, #tpu.memory_space<vmem>> -> memref<4096xf32, #tpu.memory_space<vmem>>
    %dma_start3A_16 = tpu.memref_slice %arg2[%mul3A, %mul3A_8, %mul3A_8, %mul3A_10] : memref<2x2x2x131072xf32, #tpu.memory_space<hbm>> -> memref<1x1x1x4096xf32, #tpu.memory_space<hbm>>
    %dma_start3A_17 = tpu.memref_squeeze %dma_start3A_16 : memref<1x1x1x4096xf32, #tpu.memory_space<hbm>> -> memref<4096xf32, #tpu.memory_space<hbm>>
    tpu.enqueue_dma source(%dma_start3A_17 : memref<4096xf32, #tpu.memory_space<hbm>>) target(%dma_start3A_15 : memref<4096xf32, #tpu.memory_space<vmem>>) target_semaphore(%arg12 : memref<!tpu.dma_semaphore, #tpu.memory_space<semaphore_mem>>)
    %dma_start3A_18 = arith.constant 0 : i32
    %dma_start3A_19 = tpu.memref_slice %arg8[%dma_start3A_18] : memref<8192xf32, #tpu.memory_space<vmem>> -> memref<4096xf32, #tpu.memory_space<vmem>>
    %dma_start3A_20 = tpu.memref_slice %arg3[%mul3A, %mul3A_8, %mul3A_8, %mul3A_10] : memref<2x2x2x131072xf32, #tpu.memory_space<hbm>> -> memref<1x1x1x4096xf32, #tpu.memory_space<hbm>>
    %dma_start3A_21 = tpu.memref_squeeze %dma_start3A_20 : memref<1x1x1x4096xf32, #tpu.memory_space<hbm>> -> memref<4096xf32, #tpu.memory_space<hbm>>
    %dma_start3A_22 = arith.constant 0 : i32
    %dma_start3A_23 = tpu.memref_slice %arg8[%dma_start3A_22] : memref<8192xf32, #tpu.memory_space<vmem>> -> memref<4096xf32, #tpu.memory_space<vmem>>
    %dma_start3A_24 = tpu.memref_slice %arg3[%mul3A, %mul3A_8, %mul3A_8, %mul3A_10] : memref<2x2x2x131072xf32, #tpu.memory_space<hbm>> -> memref<1x1x1x4096xf32, #tpu.memory_space<hbm>>
    %dma_start3A_25 = tpu.memref_squeeze %dma_start3A_24 : memref<1x1x1x4096xf32, #tpu.memory_space<hbm>> -> memref<4096xf32, #tpu.memory_space<hbm>>
    tpu.enqueue_dma source(%dma_start3A_25 : memref<4096xf32, #tpu.memory_space<hbm>>) target(%dma_start3A_23 : memref<4096xf32, #tpu.memory_space<vmem>>) target_semaphore(%arg13 : memref<!tpu.dma_semaphore, #tpu.memory_space<semaphore_mem>>)
    %add3A = arith.constant 4096 : i32
    %add3A_26 = arith.addi %mul3A_10, %add3A : i32
    %dma_start3A_27 = arith.constant 4096 : i32
    %dma_start3A_28 = tpu.memref_slice %arg7[%dma_start3A_27] : memref<8192xf32, #tpu.memory_space<vmem>> -> memref<4096xf32, #tpu.memory_space<vmem>>
    %dma_start3A_29 = tpu.memref_slice %arg2[%mul3A, %mul3A_8, %mul3A_8, %add3A_26] : memref<2x2x2x131072xf32, #tpu.memory_space<hbm>> -> memref<1x1x1x4096xf32, #tpu.memory_space<hbm>>
    %dma_start3A_30 = tpu.memref_squeeze %dma_start3A_29 : memref<1x1x1x4096xf32, #tpu.memory_space<hbm>> -> memref<4096xf32, #tpu.memory_space<hbm>>
    %dma_start3A_31 = arith.constant 4096 : i32
    %dma_start3A_32 = tpu.memref_slice %arg7[%dma_start3A_31] : memref<8192xf32, #tpu.memory_space<vmem>> -> memref<4096xf32, #tpu.memory_space<vmem>>
    %dma_start3A_33 = tpu.memref_slice %arg2[%mul3A, %mul3A_8, %mul3A_8, %add3A_26] : memref<2x2x2x131072xf32, #tpu.memory_space<hbm>> -> memref<1x1x1x4096xf32, #tpu.memory_space<hbm>>
    %dma_start3A_34 = tpu.memref_squeeze %dma_start3A_33 : memref<1x1x1x4096xf32, #tpu.memory_space<hbm>> -> memref<4096xf32, #tpu.memory_space<hbm>>
    tpu.enqueue_dma source(%dma_start3A_34 : memref<4096xf32, #tpu.memory_space<hbm>>) target(%dma_start3A_32 : memref<4096xf32, #tpu.memory_space<vmem>>) target_semaphore(%arg14 : memref<!tpu.dma_semaphore, #tpu.memory_space<semaphore_mem>>)
    %add3A_35 = arith.constant 4096 : i32
    %add3A_36 = arith.addi %mul3A_10, %add3A_35 : i32
    %dma_start3A_37 = arith.constant 4096 : i32
    %dma_start3A_38 = tpu.memref_slice %arg8[%dma_start3A_37] : memref<8192xf32, #tpu.memory_space<vmem>> -> memref<4096xf32, #tpu.memory_space<vmem>>
    %dma_start3A_39 = tpu.memref_slice %arg3[%mul3A, %mul3A_8, %mul3A_8, %add3A_36] : memref<2x2x2x131072xf32, #tpu.memory_space<hbm>> -> memref<1x1x1x4096xf32, #tpu.memory_space<hbm>>
    %dma_start3A_40 = tpu.memref_squeeze %dma_start3A_39 : memref<1x1x1x4096xf32, #tpu.memory_space<hbm>> -> memref<4096xf32, #tpu.memory_space<hbm>>
    %dma_start3A_41 = arith.constant 4096 : i32
    %dma_start3A_42 = tpu.memref_slice %arg8[%dma_start3A_41] : memref<8192xf32, #tpu.memory_space<vmem>> -> memref<4096xf32, #tpu.memory_space<vmem>>
    %dma_start3A_43 = tpu.memref_slice %arg3[%mul3A, %mul3A_8, %mul3A_8, %add3A_36] : memref<2x2x2x131072xf32, #tpu.memory_space<hbm>> -> memref<1x1x1x4096xf32, #tpu.memory_space<hbm>>
    %dma_start3A_44 = tpu.memref_squeeze %dma_start3A_43 : memref<1x1x1x4096xf32, #tpu.memory_space<hbm>> -> memref<4096xf32, #tpu.memory_space<hbm>>
    tpu.enqueue_dma source(%dma_start3A_44 : memref<4096xf32, #tpu.memory_space<hbm>>) target(%dma_start3A_42 : memref<4096xf32, #tpu.memory_space<vmem>>) target_semaphore(%arg15 : memref<!tpu.dma_semaphore, #tpu.memory_space<semaphore_mem>>)
    %dma_wait3A = arith.constant 0 : i32
    %dma_wait3A_45 = tpu.memref_slice %arg7[%dma_wait3A] : memref<8192xf32, #tpu.memory_space<vmem>> -> memref<4096xf32, #tpu.memory_space<vmem>>
    %dma_wait3A_46 = tpu.memref_slice %arg2[%mul3A, %mul3A_8, %mul3A_8, %mul3A_10] : memref<2x2x2x131072xf32, #tpu.memory_space<hbm>> -> memref<1x1x1x4096xf32, #tpu.memory_space<hbm>>
    %dma_wait3A_47 = tpu.memref_squeeze %dma_wait3A_46 : memref<1x1x1x4096xf32, #tpu.memory_space<hbm>> -> memref<4096xf32, #tpu.memory_space<hbm>>
    %dma_wait3A_48 = arith.constant 0 : i32
    %dma_wait3A_49 = tpu.memref_slice %arg7[%dma_wait3A_48] : memref<8192xf32, #tpu.memory_space<vmem>> -> memref<4096xf32, #tpu.memory_space<vmem>>
    %dma_wait3A_50 = tpu.memref_slice %arg2[%mul3A, %mul3A_8, %mul3A_8, %mul3A_10] : memref<2x2x2x131072xf32, #tpu.memory_space<hbm>> -> memref<1x1x1x4096xf32, #tpu.memory_space<hbm>>
    %dma_wait3A_51 = tpu.memref_squeeze %dma_wait3A_50 : memref<1x1x1x4096xf32, #tpu.memory_space<hbm>> -> memref<4096xf32, #tpu.memory_space<hbm>>
    tpu.wait_dma2 semaphore(%arg12 : memref<!tpu.dma_semaphore, #tpu.memory_space<semaphore_mem>>) src(%dma_wait3A_51 : memref<4096xf32, #tpu.memory_space<hbm>>) dst(%dma_wait3A_49 : memref<4096xf32, #tpu.memory_space<vmem>>)
    %dma_wait3A_52 = arith.constant 0 : i32
    %dma_wait3A_53 = tpu.memref_slice %arg8[%dma_wait3A_52] : memref<8192xf32, #tpu.memory_space<vmem>> -> memref<4096xf32, #tpu.memory_space<vmem>>
    %dma_wait3A_54 = tpu.memref_slice %arg3[%mul3A, %mul3A_8, %mul3A_8, %mul3A_10] : memref<2x2x2x131072xf32, #tpu.memory_space<hbm>> -> memref<1x1x1x4096xf32, #tpu.memory_space<hbm>>
    %dma_wait3A_55 = tpu.memref_squeeze %dma_wait3A_54 : memref<1x1x1x4096xf32, #tpu.memory_space<hbm>> -> memref<4096xf32, #tpu.memory_space<hbm>>
    %dma_wait3A_56 = arith.constant 0 : i32
    %dma_wait3A_57 = tpu.memref_slice %arg8[%dma_wait3A_56] : memref<8192xf32, #tpu.memory_space<vmem>> -> memref<4096xf32, #tpu.memory_space<vmem>>
    %dma_wait3A_58 = tpu.memref_slice %arg3[%mul3A, %mul3A_8, %mul3A_8, %mul3A_10] : memref<2x2x2x131072xf32, #tpu.memory_space<hbm>> -> memref<1x1x1x4096xf32, #tpu.memory_space<hbm>>
    %dma_wait3A_59 = tpu.memref_squeeze %dma_wait3A_58 : memref<1x1x1x4096xf32, #tpu.memory_space<hbm>> -> memref<4096xf32, #tpu.memory_space<hbm>>
    tpu.wait_dma2 semaphore(%arg13 : memref<!tpu.dma_semaphore, #tpu.memory_space<semaphore_mem>>) src(%dma_wait3A_59 : memref<4096xf32, #tpu.memory_space<hbm>>) dst(%dma_wait3A_57 : memref<4096xf32, #tpu.memory_space<vmem>>)
    %broadcast_in_dim3A = arith.constant 0.000000e+00 : f32
    %broadcast_in_dim3A_60 = vector.broadcast %broadcast_in_dim3A : f32 to vector<16xf32>
    %scan3A = arith.constant 0 : i32
    %scan3A_61 = arith.constant 32 : i32
    %scan3A_62 = arith.addi %scan3A, %scan3A_61 : i32
    %scan3A_63 = arith.constant 1 : i32
    %scan3A_64:8 = scf.for %scan3A_108 = %scan3A to %scan3A_62 step %scan3A_63 iter_args(%scan3A_109 = %broadcast_in_dim3A_60, %scan3A_110 = %broadcast_in_dim3A_60, %scan3A_111 = %broadcast_in_dim3A_60, %scan3A_112 = %broadcast_in_dim3A_60, %scan3A_113 = %broadcast_in_dim3A_60, %scan3A_114 = %broadcast_in_dim3A_60, %scan3A_115 = %broadcast_in_dim3A_60, %scan3A_116 = %broadcast_in_dim3A_60) -> (vector<16xf32>, vector<16xf32>, vector<16xf32>, vector<16xf32>, vector<16xf32>, vector<16xf32>, vector<16xf32>, vector<16xf32>)  : i32 {
      %mul3A_117 = arith.constant 128 : i32
      %mul3A_118 = arith.muli %scan3A_108, %mul3A_117 : i32
      %multiple_of3A = tpu.assume_multiple %mul3A_118, 128 : i32
      %add3A_119 = arith.constant 0 : i32
      %add3A_120 = arith.addi %multiple_of3A, %add3A_119 : i32
      %get3A_121 = arith.index_cast %add3A_120 : i32 to index
      %get3A_122 = tpu.vector_load %arg7[%get3A_121] {strides = array<i32>} : memref<8192xf32, #tpu.memory_space<vmem>>, vector<16xf32>,
      %get3A_123 = vector.shape_cast %get3A_122 : vector<16xf32> to vector<16xf32>
      %add3A_124 = arith.constant 0 : i32
      %add3A_125 = arith.addi %multiple_of3A, %add3A_124 : i32
      %get3A_126 = arith.index_cast %add3A_125 : i32 to index
      %get3A_127 = tpu.vector_load %arg8[%get3A_126] {strides = array<i32>} : memref<8192xf32, #tpu.memory_space<vmem>>, vector<16xf32>,
      %get3A_128 = vector.shape_cast %get3A_127 : vector<16xf32> to vector<16xf32>
      %sub3A_129 = arith.subf %get3A_123, %get3A_128 : vector<16xf32>
      %add3A_130 = arith.constant 9.99999997E-7 : f32
      %add3A_131 = vector.broadcast %add3A_130 : f32 to vector<16xf32>
      %add3A_132 = arith.addf %sub3A_129, %add3A_131 : vector<16xf32>
      %mul3A_133 = arith.mulf %add3A_132, %add3A_132 : vector<16xf32>
      %add3A_134 = arith.addf %scan3A_109, %mul3A_133 : vector<16xf32>
      %add3A_135 = arith.constant 16 : i32
      %add3A_136 = arith.addi %multiple_of3A, %add3A_135 : i32
      %get3A_137 = arith.index_cast %add3A_136 : i32 to index
      %get3A_138 = tpu.vector_load %arg7[%get3A_137] {strides = array<i32>} : memref<8192xf32, #tpu.memory_space<vmem>>, vector<16xf32>,
      %get3A_139 = vector.shape_cast %get3A_138 : vector<16xf32> to vector<16xf32>
      %add3A_140 = arith.constant 16 : i32
      %add3A_141 = arith.addi %multiple_of3A, %add3A_140 : i32
      %get3A_142 = arith.index_cast %add3A_141 : i32 to index
      %get3A_143 = tpu.vector_load %arg8[%get3A_142] {strides = array<i32>} : memref<8192xf32, #tpu.memory_space<vmem>>, vector<16xf32>,
      %get3A_144 = vector.shape_cast %get3A_143 : vector<16xf32> to vector<16xf32>
      %sub3A_145 = arith.subf %get3A_139, %get3A_144 : vector<16xf32>
      %add3A_146 = arith.constant 9.99999997E-7 : f32
      %add3A_147 = vector.broadcast %add3A_146 : f32 to vector<16xf32>
      %add3A_148 = arith.addf %sub3A_145, %add3A_147 : vector<16xf32>
      %mul3A_149 = arith.mulf %add3A_148, %add3A_148 : vector<16xf32>
      %add3A_150 = arith.addf %scan3A_110, %mul3A_149 : vector<16xf32>
      %add3A_151 = arith.constant 32 : i32
      %add3A_152 = arith.addi %multiple_of3A, %add3A_151 : i32
      %get3A_153 = arith.index_cast %add3A_152 : i32 to index
      %get3A_154 = tpu.vector_load %arg7[%get3A_153] {strides = array<i32>} : memref<8192xf32, #tpu.memory_space<vmem>>, vector<16xf32>,
      %get3A_155 = vector.shape_cast %get3A_154 : vector<16xf32> to vector<16xf32>
      %add3A_156 = arith.constant 32 : i32
      %add3A_157 = arith.addi %multiple_of3A, %add3A_156 : i32
      %get3A_158 = arith.index_cast %add3A_157 : i32 to index
      %get3A_159 = tpu.vector_load %arg8[%get3A_158] {strides = array<i32>} : memref<8192xf32, #tpu.memory_space<vmem>>, vector<16xf32>,
      %get3A_160 = vector.shape_cast %get3A_159 : vector<16xf32> to vector<16xf32>
      %sub3A_161 = arith.subf %get3A_155, %get3A_160 : vector<16xf32>
      %add3A_162 = arith.constant 9.99999997E-7 : f32
      %add3A_163 = vector.broadcast %add3A_162 : f32 to vector<16xf32>
      %add3A_164 = arith.addf %sub3A_161, %add3A_163 : vector<16xf32>
      %mul3A_165 = arith.mulf %add3A_164, %add3A_164 : vector<16xf32>
      %add3A_166 = arith.addf %scan3A_111, %mul3A_165 : vector<16xf32>
      %add3A_167 = arith.constant 48 : i32
      %add3A_168 = arith.addi %multiple_of3A, %add3A_167 : i32
      %get3A_169 = arith.index_cast %add3A_168 : i32 to index
      %get3A_170 = tpu.vector_load %arg7[%get3A_169] {strides = array<i32>} : memref<8192xf32, #tpu.memory_space<vmem>>, vector<16xf32>,
      %get3A_171 = vector.shape_cast %get3A_170 : vector<16xf32> to vector<16xf32>
      %add3A_172 = arith.constant 48 : i32
      %add3A_173 = arith.addi %multiple_of3A, %add3A_172 : i32
      %get3A_174 = arith.index_cast %add3A_173 : i32 to index
      %get3A_175 = tpu.vector_load %arg8[%get3A_174] {strides = array<i32>} : memref<8192xf32, #tpu.memory_space<vmem>>, vector<16xf32>,
      %get3A_176 = vector.shape_cast %get3A_175 : vector<16xf32> to vector<16xf32>
      %sub3A_177 = arith.subf %get3A_171, %get3A_176 : vector<16xf32>
      %add3A_178 = arith.constant 9.99999997E-7 : f32
      %add3A_179 = vector.broadcast %add3A_178 : f32 to vector<16xf32>
      %add3A_180 = arith.addf %sub3A_177, %add3A_179 : vector<16xf32>
      %mul3A_181 = arith.mulf %add3A_180, %add3A_180 : vector<16xf32>
      %add3A_182 = arith.addf %scan3A_112, %mul3A_181 : vector<16xf32>
      %add3A_183 = arith.constant 64 : i32
      %add3A_184 = arith.addi %multiple_of3A, %add3A_183 : i32
      %get3A_185 = arith.index_cast %add3A_184 : i32 to index
      %get3A_186 = tpu.vector_load %arg7[%get3A_185] {strides = array<i32>} : memref<8192xf32, #tpu.memory_space<vmem>>, vector<16xf32>,
      %get3A_187 = vector.shape_cast %get3A_186 : vector<16xf32> to vector<16xf32>
      %add3A_188 = arith.constant 64 : i32
      %add3A_189 = arith.addi %multiple_of3A, %add3A_188 : i32
      %get3A_190 = arith.index_cast %add3A_189 : i32 to index
      %get3A_191 = tpu.vector_load %arg8[%get3A_190] {strides = array<i32>} : memref<8192xf32, #tpu.memory_space<vmem>>, vector<16xf32>,
      %get3A_192 = vector.shape_cast %get3A_191 : vector<16xf32> to vector<16xf32>
      %sub3A_193 = arith.subf %get3A_187, %get3A_192 : vector<16xf32>
      %add3A_194 = arith.constant 9.99999997E-7 : f32
      %add3A_195 = vector.broadcast %add3A_194 : f32 to vector<16xf32>
      %add3A_196 = arith.addf %sub3A_193, %add3A_195 : vector<16xf32>
      %mul3A_197 = arith.mulf %add3A_196, %add3A_196 : vector<16xf32>
      %add3A_198 = arith.addf %scan3A_113, %mul3A_197 : vector<16xf32>
      %add3A_199 = arith.constant 80 : i32
      %add3A_200 = arith.addi %multiple_of3A, %add3A_199 : i32
      %get3A_201 = arith.index_cast %add3A_200 : i32 to index
      %get3A_202 = tpu.vector_load %arg7[%get3A_201] {strides = array<i32>} : memref<8192xf32, #tpu.memory_space<vmem>>, vector<16xf32>,
      %get3A_203 = vector.shape_cast %get3A_202 : vector<16xf32> to vector<16xf32>
      %add3A_204 = arith.constant 80 : i32
      %add3A_205 = arith.addi %multiple_of3A, %add3A_204 : i32
      %get3A_206 = arith.index_cast %add3A_205 : i32 to index
      %get3A_207 = tpu.vector_load %arg8[%get3A_206] {strides = array<i32>} : memref<8192xf32, #tpu.memory_space<vmem>>, vector<16xf32>,
      %get3A_208 = vector.shape_cast %get3A_207 : vector<16xf32> to vector<16xf32>
      %sub3A_209 = arith.subf %get3A_203, %get3A_208 : vector<16xf32>
      %add3A_210 = arith.constant 9.99999997E-7 : f32
      %add3A_211 = vector.broadcast %add3A_210 : f32 to vector<16xf32>
      %add3A_212 = arith.addf %sub3A_209, %add3A_211 : vector<16xf32>
      %mul3A_213 = arith.mulf %add3A_212, %add3A_212 : vector<16xf32>
      %add3A_214 = arith.addf %scan3A_114, %mul3A_213 : vector<16xf32>
      %add3A_215 = arith.constant 96 : i32
      %add3A_216 = arith.addi %multiple_of3A, %add3A_215 : i32
      %get3A_217 = arith.index_cast %add3A_216 : i32 to index
      %get3A_218 = tpu.vector_load %arg7[%get3A_217] {strides = array<i32>} : memref<8192xf32, #tpu.memory_space<vmem>>, vector<16xf32>,
      %get3A_219 = vector.shape_cast %get3A_218 : vector<16xf32> to vector<16xf32>
      %add3A_220 = arith.constant 96 : i32
      %add3A_221 = arith.addi %multiple_of3A, %add3A_220 : i32
      %get3A_222 = arith.index_cast %add3A_221 : i32 to index
      %get3A_223 = tpu.vector_load %arg8[%get3A_222] {strides = array<i32>} : memref<8192xf32, #tpu.memory_space<vmem>>, vector<16xf32>,
      %get3A_224 = vector.shape_cast %get3A_223 : vector<16xf32> to vector<16xf32>
      %sub3A_225 = arith.subf %get3A_219, %get3A_224 : vector<16xf32>
      %add3A_226 = arith.constant 9.99999997E-7 : f32
      %add3A_227 = vector.broadcast %add3A_226 : f32 to vector<16xf32>
      %add3A_228 = arith.addf %sub3A_225, %add3A_227 : vector<16xf32>
      %mul3A_229 = arith.mulf %add3A_228, %add3A_228 : vector<16xf32>
      %add3A_230 = arith.addf %scan3A_115, %mul3A_229 : vector<16xf32>
      %add3A_231 = arith.constant 112 : i32
      %add3A_232 = arith.addi %multiple_of3A, %add3A_231 : i32
      %get3A_233 = arith.index_cast %add3A_232 : i32 to index
      %get3A_234 = tpu.vector_load %arg7[%get3A_233] {strides = array<i32>} : memref<8192xf32, #tpu.memory_space<vmem>>, vector<16xf32>,
      %get3A_235 = vector.shape_cast %get3A_234 : vector<16xf32> to vector<16xf32>
      %add3A_236 = arith.constant 112 : i32
      %add3A_237 = arith.addi %multiple_of3A, %add3A_236 : i32
      %get3A_238 = arith.index_cast %add3A_237 : i32 to index
      %get3A_239 = tpu.vector_load %arg8[%get3A_238] {strides = array<i32>} : memref<8192xf32, #tpu.memory_space<vmem>>, vector<16xf32>,
      %get3A_240 = vector.shape_cast %get3A_239 : vector<16xf32> to vector<16xf32>
      %sub3A_241 = arith.subf %get3A_235, %get3A_240 : vector<16xf32>
      %add3A_242 = arith.constant 9.99999997E-7 : f32
      %add3A_243 = vector.broadcast %add3A_242 : f32 to vector<16xf32>
      %add3A_244 = arith.addf %sub3A_241, %add3A_243 : vector<16xf32>
      %mul3A_245 = arith.mulf %add3A_244, %add3A_244 : vector<16xf32>
      %add3A_246 = arith.addf %scan3A_116, %mul3A_245 : vector<16xf32>
      scf.yield %add3A_134, %add3A_150, %add3A_166, %add3A_182, %add3A_198, %add3A_214, %add3A_230, %add3A_246 : vector<16xf32>, vector<16xf32>, vector<16xf32>, vector<16xf32>, vector<16xf32>, vector<16xf32>, vector<16xf32>, vector<16xf32>
    }
    %scan3A_65 = arith.constant 32 : i32
    %dma_wait3A_66 = arith.constant 4096 : i32
    %dma_wait3A_67 = tpu.memref_slice %arg7[%dma_wait3A_66] : memref<8192xf32, #tpu.memory_space<vmem>> -> memref<4096xf32, #tpu.memory_space<vmem>>
    %dma_wait3A_68 = tpu.memref_slice %arg2[%mul3A, %mul3A_8, %mul3A_8, %add3A_26] : memref<2x2x2x131072xf32, #tpu.memory_space<hbm>> -> memref<1x1x1x4096xf32, #tpu.memory_space<hbm>>
    %dma_wait3A_69 = tpu.memref_squeeze %dma_wait3A_68 : memref<1x1x1x4096xf32, #tpu.memory_space<hbm>> -> memref<4096xf32, #tpu.memory_space<hbm>>
    %dma_wait3A_70 = arith.constant 4096 : i32
    %dma_wait3A_71 = tpu.memref_slice %arg7[%dma_wait3A_70] : memref<8192xf32, #tpu.memory_space<vmem>> -> memref<4096xf32, #tpu.memory_space<vmem>>
    %dma_wait3A_72 = tpu.memref_slice %arg2[%mul3A, %mul3A_8, %mul3A_8, %add3A_26] : memref<2x2x2x131072xf32, #tpu.memory_space<hbm>> -> memref<1x1x1x4096xf32, #tpu.memory_space<hbm>>
    %dma_wait3A_73 = tpu.memref_squeeze %dma_wait3A_72 : memref<1x1x1x4096xf32, #tpu.memory_space<hbm>> -> memref<4096xf32, #tpu.memory_space<hbm>>
    tpu.wait_dma2 semaphore(%arg14 : memref<!tpu.dma_semaphore, #tpu.memory_space<semaphore_mem>>) src(%dma_wait3A_73 : memref<4096xf32, #tpu.memory_space<hbm>>) dst(%dma_wait3A_71 : memref<4096xf32, #tpu.memory_space<vmem>>)
    %dma_wait3A_74 = arith.constant 4096 : i32
    %dma_wait3A_75 = tpu.memref_slice %arg8[%dma_wait3A_74] : memref<8192xf32, #tpu.memory_space<vmem>> -> memref<4096xf32, #tpu.memory_space<vmem>>
    %dma_wait3A_76 = tpu.memref_slice %arg3[%mul3A, %mul3A_8, %mul3A_8, %add3A_36] : memref<2x2x2x131072xf32, #tpu.memory_space<hbm>> -> memref<1x1x1x4096xf32, #tpu.memory_space<hbm>>
    %dma_wait3A_77 = tpu.memref_squeeze %dma_wait3A_76 : memref<1x1x1x4096xf32, #tpu.memory_space<hbm>> -> memref<4096xf32, #tpu.memory_space<hbm>>
    %dma_wait3A_78 = arith.constant 4096 : i32
    %dma_wait3A_79 = tpu.memref_slice %arg8[%dma_wait3A_78] : memref<8192xf32, #tpu.memory_space<vmem>> -> memref<4096xf32, #tpu.memory_space<vmem>>
    %dma_wait3A_80 = tpu.memref_slice %arg3[%mul3A, %mul3A_8, %mul3A_8, %add3A_36] : memref<2x2x2x131072xf32, #tpu.memory_space<hbm>> -> memref<1x1x1x4096xf32, #tpu.memory_space<hbm>>
    %dma_wait3A_81 = tpu.memref_squeeze %dma_wait3A_80 : memref<1x1x1x4096xf32, #tpu.memory_space<hbm>> -> memref<4096xf32, #tpu.memory_space<hbm>>
    tpu.wait_dma2 semaphore(%arg15 : memref<!tpu.dma_semaphore, #tpu.memory_space<semaphore_mem>>) src(%dma_wait3A_81 : memref<4096xf32, #tpu.memory_space<hbm>>) dst(%dma_wait3A_79 : memref<4096xf32, #tpu.memory_space<vmem>>)
    %scan3A_82 = arith.constant 32 : i32
    %scan3A_83 = arith.constant 32 : i32
    %scan3A_84 = arith.addi %scan3A_82, %scan3A_83 : i32
    %scan3A_85 = arith.constant 1 : i32
    %scan3A_86:8 = scf.for %scan3A_108 = %scan3A_82 to %scan3A_84 step %scan3A_85 iter_args(%scan3A_109 = %scan3A_64#0, %scan3A_110 = %scan3A_64#1, %scan3A_111 = %scan3A_64#2, %scan3A_112 = %scan3A_64#3, %scan3A_113 = %scan3A_64#4, %scan3A_114 = %scan3A_64#5, %scan3A_115 = %scan3A_64#6, %scan3A_116 = %scan3A_64#7) -> (vector<16xf32>, vector<16xf32>, vector<16xf32>, vector<16xf32>, vector<16xf32>, vector<16xf32>, vector<16xf32>, vector<16xf32>)  : i32 {
      %mul3A_117 = arith.constant 128 : i32
      %mul3A_118 = arith.muli %scan3A_108, %mul3A_117 : i32
      %multiple_of3A = tpu.assume_multiple %mul3A_118, 128 : i32
      %add3A_119 = arith.constant 0 : i32
      %add3A_120 = arith.addi %multiple_of3A, %add3A_119 : i32
      %get3A_121 = arith.index_cast %add3A_120 : i32 to index
      %get3A_122 = tpu.vector_load %arg7[%get3A_121] {strides = array<i32>} : memref<8192xf32, #tpu.memory_space<vmem>>, vector<16xf32>,
      %get3A_123 = vector.shape_cast %get3A_122 : vector<16xf32> to vector<16xf32>
      %add3A_124 = arith.constant 0 : i32
      %add3A_125 = arith.addi %multiple_of3A, %add3A_124 : i32
      %get3A_126 = arith.index_cast %add3A_125 : i32 to index
      %get3A_127 = tpu.vector_load %arg8[%get3A_126] {strides = array<i32>} : memref<8192xf32, #tpu.memory_space<vmem>>, vector<16xf32>,
      %get3A_128 = vector.shape_cast %get3A_127 : vector<16xf32> to vector<16xf32>
      %sub3A_129 = arith.subf %get3A_123, %get3A_128 : vector<16xf32>
      %add3A_130 = arith.constant 9.99999997E-7 : f32
      %add3A_131 = vector.broadcast %add3A_130 : f32 to vector<16xf32>
      %add3A_132 = arith.addf %sub3A_129, %add3A_131 : vector<16xf32>
      %mul3A_133 = arith.mulf %add3A_132, %add3A_132 : vector<16xf32>
      %add3A_134 = arith.addf %scan3A_109, %mul3A_133 : vector<16xf32>
      %add3A_135 = arith.constant 16 : i32
      %add3A_136 = arith.addi %multiple_of3A, %add3A_135 : i32
      %get3A_137 = arith.index_cast %add3A_136 : i32 to index
      %get3A_138 = tpu.vector_load %arg7[%get3A_137] {strides = array<i32>} : memref<8192xf32, #tpu.memory_space<vmem>>, vector<16xf32>,
      %get3A_139 = vector.shape_cast %get3A_138 : vector<16xf32> to vector<16xf32>
      %add3A_140 = arith.constant 16 : i32
      %add3A_141 = arith.addi %multiple_of3A, %add3A_140 : i32
      %get3A_142 = arith.index_cast %add3A_141 : i32 to index
      %get3A_143 = tpu.vector_load %arg8[%get3A_142] {strides = array<i32>} : memref<8192xf32, #tpu.memory_space<vmem>>, vector<16xf32>,
      %get3A_144 = vector.shape_cast %get3A_143 : vector<16xf32> to vector<16xf32>
      %sub3A_145 = arith.subf %get3A_139, %get3A_144 : vector<16xf32>
      %add3A_146 = arith.constant 9.99999997E-7 : f32
      %add3A_147 = vector.broadcast %add3A_146 : f32 to vector<16xf32>
      %add3A_148 = arith.addf %sub3A_145, %add3A_147 : vector<16xf32>
      %mul3A_149 = arith.mulf %add3A_148, %add3A_148 : vector<16xf32>
      %add3A_150 = arith.addf %scan3A_110, %mul3A_149 : vector<16xf32>
      %add3A_151 = arith.constant 32 : i32
      %add3A_152 = arith.addi %multiple_of3A, %add3A_151 : i32
      %get3A_153 = arith.index_cast %add3A_152 : i32 to index
      %get3A_154 = tpu.vector_load %arg7[%get3A_153] {strides = array<i32>} : memref<8192xf32, #tpu.memory_space<vmem>>, vector<16xf32>,
      %get3A_155 = vector.shape_cast %get3A_154 : vector<16xf32> to vector<16xf32>
      %add3A_156 = arith.constant 32 : i32
      %add3A_157 = arith.addi %multiple_of3A, %add3A_156 : i32
      %get3A_158 = arith.index_cast %add3A_157 : i32 to index
      %get3A_159 = tpu.vector_load %arg8[%get3A_158] {strides = array<i32>} : memref<8192xf32, #tpu.memory_space<vmem>>, vector<16xf32>,
      %get3A_160 = vector.shape_cast %get3A_159 : vector<16xf32> to vector<16xf32>
      %sub3A_161 = arith.subf %get3A_155, %get3A_160 : vector<16xf32>
      %add3A_162 = arith.constant 9.99999997E-7 : f32
      %add3A_163 = vector.broadcast %add3A_162 : f32 to vector<16xf32>
      %add3A_164 = arith.addf %sub3A_161, %add3A_163 : vector<16xf32>
      %mul3A_165 = arith.mulf %add3A_164, %add3A_164 : vector<16xf32>
      %add3A_166 = arith.addf %scan3A_111, %mul3A_165 : vector<16xf32>
      %add3A_167 = arith.constant 48 : i32
      %add3A_168 = arith.addi %multiple_of3A, %add3A_167 : i32
      %get3A_169 = arith.index_cast %add3A_168 : i32 to index
      %get3A_170 = tpu.vector_load %arg7[%get3A_169] {strides = array<i32>} : memref<8192xf32, #tpu.memory_space<vmem>>, vector<16xf32>,
      %get3A_171 = vector.shape_cast %get3A_170 : vector<16xf32> to vector<16xf32>
      %add3A_172 = arith.constant 48 : i32
      %add3A_173 = arith.addi %multiple_of3A, %add3A_172 : i32
      %get3A_174 = arith.index_cast %add3A_173 : i32 to index
      %get3A_175 = tpu.vector_load %arg8[%get3A_174] {strides = array<i32>} : memref<8192xf32, #tpu.memory_space<vmem>>, vector<16xf32>,
      %get3A_176 = vector.shape_cast %get3A_175 : vector<16xf32> to vector<16xf32>
      %sub3A_177 = arith.subf %get3A_171, %get3A_176 : vector<16xf32>
      %add3A_178 = arith.constant 9.99999997E-7 : f32
      %add3A_179 = vector.broadcast %add3A_178 : f32 to vector<16xf32>
      %add3A_180 = arith.addf %sub3A_177, %add3A_179 : vector<16xf32>
      %mul3A_181 = arith.mulf %add3A_180, %add3A_180 : vector<16xf32>
      %add3A_182 = arith.addf %scan3A_112, %mul3A_181 : vector<16xf32>
      %add3A_183 = arith.constant 64 : i32
      %add3A_184 = arith.addi %multiple_of3A, %add3A_183 : i32
      %get3A_185 = arith.index_cast %add3A_184 : i32 to index
      %get3A_186 = tpu.vector_load %arg7[%get3A_185] {strides = array<i32>} : memref<8192xf32, #tpu.memory_space<vmem>>, vector<16xf32>,
      %get3A_187 = vector.shape_cast %get3A_186 : vector<16xf32> to vector<16xf32>
      %add3A_188 = arith.constant 64 : i32
      %add3A_189 = arith.addi %multiple_of3A, %add3A_188 : i32
      %get3A_190 = arith.index_cast %add3A_189 : i32 to index
      %get3A_191 = tpu.vector_load %arg8[%get3A_190] {strides = array<i32>} : memref<8192xf32, #tpu.memory_space<vmem>>, vector<16xf32>,
      %get3A_192 = vector.shape_cast %get3A_191 : vector<16xf32> to vector<16xf32>
      %sub3A_193 = arith.subf %get3A_187, %get3A_192 : vector<16xf32>
      %add3A_194 = arith.constant 9.99999997E-7 : f32
      %add3A_195 = vector.broadcast %add3A_194 : f32 to vector<16xf32>
      %add3A_196 = arith.addf %sub3A_193, %add3A_195 : vector<16xf32>
      %mul3A_197 = arith.mulf %add3A_196, %add3A_196 : vector<16xf32>
      %add3A_198 = arith.addf %scan3A_113, %mul3A_197 : vector<16xf32>
      %add3A_199 = arith.constant 80 : i32
      %add3A_200 = arith.addi %multiple_of3A, %add3A_199 : i32
      %get3A_201 = arith.index_cast %add3A_200 : i32 to index
      %get3A_202 = tpu.vector_load %arg7[%get3A_201] {strides = array<i32>} : memref<8192xf32, #tpu.memory_space<vmem>>, vector<16xf32>,
      %get3A_203 = vector.shape_cast %get3A_202 : vector<16xf32> to vector<16xf32>
      %add3A_204 = arith.constant 80 : i32
      %add3A_205 = arith.addi %multiple_of3A, %add3A_204 : i32
      %get3A_206 = arith.index_cast %add3A_205 : i32 to index
      %get3A_207 = tpu.vector_load %arg8[%get3A_206] {strides = array<i32>} : memref<8192xf32, #tpu.memory_space<vmem>>, vector<16xf32>,
      %get3A_208 = vector.shape_cast %get3A_207 : vector<16xf32> to vector<16xf32>
      %sub3A_209 = arith.subf %get3A_203, %get3A_208 : vector<16xf32>
      %add3A_210 = arith.constant 9.99999997E-7 : f32
      %add3A_211 = vector.broadcast %add3A_210 : f32 to vector<16xf32>
      %add3A_212 = arith.addf %sub3A_209, %add3A_211 : vector<16xf32>
      %mul3A_213 = arith.mulf %add3A_212, %add3A_212 : vector<16xf32>
      %add3A_214 = arith.addf %scan3A_114, %mul3A_213 : vector<16xf32>
      %add3A_215 = arith.constant 96 : i32
      %add3A_216 = arith.addi %multiple_of3A, %add3A_215 : i32
      %get3A_217 = arith.index_cast %add3A_216 : i32 to index
      %get3A_218 = tpu.vector_load %arg7[%get3A_217] {strides = array<i32>} : memref<8192xf32, #tpu.memory_space<vmem>>, vector<16xf32>,
      %get3A_219 = vector.shape_cast %get3A_218 : vector<16xf32> to vector<16xf32>
      %add3A_220 = arith.constant 96 : i32
      %add3A_221 = arith.addi %multiple_of3A, %add3A_220 : i32
      %get3A_222 = arith.index_cast %add3A_221 : i32 to index
      %get3A_223 = tpu.vector_load %arg8[%get3A_222] {strides = array<i32>} : memref<8192xf32, #tpu.memory_space<vmem>>, vector<16xf32>,
      %get3A_224 = vector.shape_cast %get3A_223 : vector<16xf32> to vector<16xf32>
      %sub3A_225 = arith.subf %get3A_219, %get3A_224 : vector<16xf32>
      %add3A_226 = arith.constant 9.99999997E-7 : f32
      %add3A_227 = vector.broadcast %add3A_226 : f32 to vector<16xf32>
      %add3A_228 = arith.addf %sub3A_225, %add3A_227 : vector<16xf32>
      %mul3A_229 = arith.mulf %add3A_228, %add3A_228 : vector<16xf32>
      %add3A_230 = arith.addf %scan3A_115, %mul3A_229 : vector<16xf32>
      %add3A_231 = arith.constant 112 : i32
      %add3A_232 = arith.addi %multiple_of3A, %add3A_231 : i32
      %get3A_233 = arith.index_cast %add3A_232 : i32 to index
      %get3A_234 = tpu.vector_load %arg7[%get3A_233] {strides = array<i32>} : memref<8192xf32, #tpu.memory_space<vmem>>, vector<16xf32>,
      %get3A_235 = vector.shape_cast %get3A_234 : vector<16xf32> to vector<16xf32>
      %add3A_236 = arith.constant 112 : i32
      %add3A_237 = arith.addi %multiple_of3A, %add3A_236 : i32
      %get3A_238 = arith.index_cast %add3A_237 : i32 to index
      %get3A_239 = tpu.vector_load %arg8[%get3A_238] {strides = array<i32>} : memref<8192xf32, #tpu.memory_space<vmem>>, vector<16xf32>,
      %get3A_240 = vector.shape_cast %get3A_239 : vector<16xf32> to vector<16xf32>
      %sub3A_241 = arith.subf %get3A_235, %get3A_240 : vector<16xf32>
      %add3A_242 = arith.constant 9.99999997E-7 : f32
      %add3A_243 = vector.broadcast %add3A_242 : f32 to vector<16xf32>
      %add3A_244 = arith.addf %sub3A_241, %add3A_243 : vector<16xf32>
      %mul3A_245 = arith.mulf %add3A_244, %add3A_244 : vector<16xf32>
      %add3A_246 = arith.addf %scan3A_116, %mul3A_245 : vector<16xf32>
      scf.yield %add3A_134, %add3A_150, %add3A_166, %add3A_182, %add3A_198, %add3A_214, %add3A_230, %add3A_246 : vector<16xf32>, vector<16xf32>, vector<16xf32>, vector<16xf32>, vector<16xf32>, vector<16xf32>, vector<16xf32>, vector<16xf32>
    }
    %scan3A_87 = arith.constant 32 : i32
    %add3A_88 = arith.addf %scan3A_86#0, %scan3A_86#1 : vector<16xf32>
    %add3A_89 = arith.addf %add3A_88, %scan3A_86#2 : vector<16xf32>
    %add3A_90 = arith.addf %add3A_89, %scan3A_86#3 : vector<16xf32>
    %add3A_91 = arith.addf %add3A_90, %scan3A_86#4 : vector<16xf32>
    %add3A_92 = arith.addf %add3A_91, %scan3A_86#5 : vector<16xf32>
    %add3A_93 = arith.addf %add3A_92, %scan3A_86#6 : vector<16xf32>
    %add3A_94 = arith.addf %add3A_93, %scan3A_86#7 : vector<16xf32>
    %swap3A = arith.constant 0 : index
    %swap3A_95 = tpu.vector_load %arg9[%swap3A] {strides = array<i32>} : memref<16xf32, #tpu.memory_space<vmem>>, vector<16xf32>,
    %swap3A_96 = vector.shape_cast %swap3A_95 : vector<16xf32> to vector<16xf32>
    %swap3A_97 = vector.shape_cast %add3A_94 : vector<16xf32> to vector<16xf32>
    tpu.vector_store %arg9[%swap3A], %swap3A_97 {strides = array<i32>} : memref<16xf32, #tpu.memory_space<vmem>>, vector<16xf32>,
    %iota3A = tpu.iota {dimensions = array<i32: 0>} : vector<16xi32>
    %swap3A_98 = arith.constant 0 : index
    %swap3A_99 = tpu.vector_load %arg10[%swap3A_98] {strides = array<i32>} : memref<16xi32, #tpu.memory_space<vmem>>, vector<16xi32>,
    %swap3A_100 = vector.shape_cast %swap3A_99 : vector<16xi32> to vector<16xi32>
    %swap3A_101 = vector.shape_cast %iota3A : vector<16xi32> to vector<16xi32>
    tpu.vector_store %arg10[%swap3A_98], %swap3A_101 {strides = array<i32>} : memref<16xi32, #tpu.memory_space<vmem>>, vector<16xi32>,
    %barrier3A = arith.constant 0 : index
    tpu.barrier barrier_id(%barrier3A)
    "tpu.region"() ({
      %run_scoped3A = tpu.sem_alloc : memref<!tpu.dma_semaphore, #tpu.memory_space<semaphore_mem>>
      %dma_start3A_108 = arith.constant 0 : i32
      %dma_start3A_109 = tpu.memref_slice %arg11[%dma_start3A_108] : memref<16xf32, #tpu.memory_space<vmem_shared>> -> memref<16xf32, #tpu.memory_space<vmem_shared>>
      tpu.enqueue_indirect_dma source(%arg9 : memref<16xf32, #tpu.memory_space<vmem>>) target(%dma_start3A_109 : memref<16xf32, #tpu.memory_space<vmem_shared>>) offsets(%arg10 : memref<16xi32, #tpu.memory_space<vmem>>) semaphore(%run_scoped3A : memref<!tpu.dma_semaphore, #tpu.memory_space<semaphore_mem>>) {add = true}
      %dma_wait3A_110 = arith.constant 0 : i32
      %dma_wait3A_111 = tpu.memref_slice %arg11[%dma_wait3A_110] : memref<16xf32, #tpu.memory_space<vmem_shared>> -> memref<16xf32, #tpu.memory_space<vmem_shared>>
      tpu.wait_indirect_dma semaphore(%run_scoped3A : memref<!tpu.dma_semaphore, #tpu.memory_space<semaphore_mem>>) src(%arg9 : memref<16xf32, #tpu.memory_space<vmem>>) dst(%dma_wait3A_111 : memref<16xf32, #tpu.memory_space<vmem_shared>>)
      tpu.yield
    }) : () -> ()
    %barrier3A_102 = arith.constant 0 : index
    tpu.barrier barrier_id(%barrier3A_102)
    %eq3A_103 = arith.constant 0 : i32
    %eq3A_104 = arith.cmpi eq, %arg1, %eq3A_103 : i32
    %convert_element_type3A_105 = arith.extui %eq3A_104 : i1 to i32
    %cond3A_106 = arith.constant 0 : i32
    %cond3A_107 = arith.cmpi ne, %convert_element_type3A_105, %cond3A_106 : i32
    scf.if %cond3A_107 {
      "tpu.region"() ({
        %run_scoped3A = tpu.sem_alloc : memref<!tpu.dma_semaphore, #tpu.memory_space<semaphore_mem>>
        tpu.enqueue_dma source(%arg11 : memref<16xf32, #tpu.memory_space<vmem_shared>>) target(%arg9 : memref<16xf32, #tpu.memory_space<vmem>>) target_semaphore(%run_scoped3A : memref<!tpu.dma_semaphore, #tpu.memory_space<semaphore_mem>>)
        tpu.wait_dma2 semaphore(%run_scoped3A : memref<!tpu.dma_semaphore, #tpu.memory_space<semaphore_mem>>) src(%arg11 : memref<16xf32, #tpu.memory_space<vmem_shared>>) dst(%arg9 : memref<16xf32, #tpu.memory_space<vmem>>)
        tpu.yield
      }) : () -> ()
      %get3A_108 = arith.constant 0 : index
      %get3A_109 = tpu.vector_load %arg9[%get3A_108] {strides = array<i32>} : memref<16xf32, #tpu.memory_space<vmem>>, vector<16xf32>,
      %get3A_110 = vector.shape_cast %get3A_109 : vector<16xf32> to vector<16xf32>
      %iota3A_111 = tpu.iota {dimensions = array<i32: 0>} : vector<16xi32>
      %xor3A = arith.constant 8 : i32
      %xor3A_112 = vector.broadcast %xor3A : i32 to vector<16xi32>
      %xor3A_113 = arith.xori %iota3A_111, %xor3A_112 : vector<16xi32>
      %lt3A = arith.constant 0 : i32
      %lt3A_114 = vector.broadcast %lt3A : i32 to vector<16xi32>
      %lt3A_115 = arith.cmpi slt, %xor3A_113, %lt3A_114 : vector<16xi32>
      %add3A_116 = arith.constant 16 : i32
      %add3A_117 = vector.broadcast %add3A_116 : i32 to vector<16xi32>
      %add3A_118 = arith.addi %xor3A_113, %add3A_117 : vector<16xi32>
      %select_n3A = arith.select %lt3A_115, %add3A_118, %xor3A_113 : vector<16xi1>, vector<16xi32>
      %broadcast_in_dim3A_119 = vector.shape_cast %select_n3A : vector<16xi32> to vector<16x1xi32>
      %gather3A = vector.shape_cast %broadcast_in_dim3A_119 : vector<16x1xi32> to vector<16xi32>
      %gather3A_120 = tpu.dynamic_gather %get3A_110[%gather3A] in [0] : vector<16xf32>, vector<16xi32> -> vector<16xf32>
      %add3A_121 = arith.addf %get3A_110, %gather3A_120 : vector<16xf32>
      %xor3A_122 = arith.constant 4 : i32
      %xor3A_123 = vector.broadcast %xor3A_122 : i32 to vector<16xi32>
      %xor3A_124 = arith.xori %iota3A_111, %xor3A_123 : vector<16xi32>
      %lt3A_125 = arith.constant 0 : i32
      %lt3A_126 = vector.broadcast %lt3A_125 : i32 to vector<16xi32>
      %lt3A_127 = arith.cmpi slt, %xor3A_124, %lt3A_126 : vector<16xi32>
      %add3A_128 = arith.constant 16 : i32
      %add3A_129 = vector.broadcast %add3A_128 : i32 to vector<16xi32>
      %add3A_130 = arith.addi %xor3A_124, %add3A_129 : vector<16xi32>
      %select_n3A_131 = arith.select %lt3A_127, %add3A_130, %xor3A_124 : vector<16xi1>, vector<16xi32>
      %broadcast_in_dim3A_132 = vector.shape_cast %select_n3A_131 : vector<16xi32> to vector<16x1xi32>
      %gather3A_133 = vector.shape_cast %broadcast_in_dim3A_132 : vector<16x1xi32> to vector<16xi32>
      %gather3A_134 = tpu.dynamic_gather %add3A_121[%gather3A_133] in [0] : vector<16xf32>, vector<16xi32> -> vector<16xf32>
      %add3A_135 = arith.addf %add3A_121, %gather3A_134 : vector<16xf32>
      %xor3A_136 = arith.constant 2 : i32
      %xor3A_137 = vector.broadcast %xor3A_136 : i32 to vector<16xi32>
      %xor3A_138 = arith.xori %iota3A_111, %xor3A_137 : vector<16xi32>
      %lt3A_139 = arith.constant 0 : i32
      %lt3A_140 = vector.broadcast %lt3A_139 : i32 to vector<16xi32>
      %lt3A_141 = arith.cmpi slt, %xor3A_138, %lt3A_140 : vector<16xi32>
      %add3A_142 = arith.constant 16 : i32
      %add3A_143 = vector.broadcast %add3A_142 : i32 to vector<16xi32>
      %add3A_144 = arith.addi %xor3A_138, %add3A_143 : vector<16xi32>
      %select_n3A_145 = arith.select %lt3A_141, %add3A_144, %xor3A_138 : vector<16xi1>, vector<16xi32>
      %broadcast_in_dim3A_146 = vector.shape_cast %select_n3A_145 : vector<16xi32> to vector<16x1xi32>
      %gather3A_147 = vector.shape_cast %broadcast_in_dim3A_146 : vector<16x1xi32> to vector<16xi32>
      %gather3A_148 = tpu.dynamic_gather %add3A_135[%gather3A_147] in [0] : vector<16xf32>, vector<16xi32> -> vector<16xf32>
      %add3A_149 = arith.addf %add3A_135, %gather3A_148 : vector<16xf32>
      %xor3A_150 = arith.constant 1 : i32
      %xor3A_151 = vector.broadcast %xor3A_150 : i32 to vector<16xi32>
      %xor3A_152 = arith.xori %iota3A_111, %xor3A_151 : vector<16xi32>
      %lt3A_153 = arith.constant 0 : i32
      %lt3A_154 = vector.broadcast %lt3A_153 : i32 to vector<16xi32>
      %lt3A_155 = arith.cmpi slt, %xor3A_152, %lt3A_154 : vector<16xi32>
      %add3A_156 = arith.constant 16 : i32
      %add3A_157 = vector.broadcast %add3A_156 : i32 to vector<16xi32>
      %add3A_158 = arith.addi %xor3A_152, %add3A_157 : vector<16xi32>
      %select_n3A_159 = arith.select %lt3A_155, %add3A_158, %xor3A_152 : vector<16xi1>, vector<16xi32>
      %broadcast_in_dim3A_160 = vector.shape_cast %select_n3A_159 : vector<16xi32> to vector<16x1xi32>
      %gather3A_161 = vector.shape_cast %broadcast_in_dim3A_160 : vector<16x1xi32> to vector<16xi32>
      %gather3A_162 = tpu.dynamic_gather %add3A_149[%gather3A_161] in [0] : vector<16xf32>, vector<16xi32> -> vector<16xf32>
      %add3A_163 = arith.addf %add3A_149, %gather3A_162 : vector<16xf32>
      %sub3A_164 = arith.constant 6.250000e-02 : f32
      %sub3A_165 = vector.broadcast %sub3A_164 : f32 to vector<16xf32>
      %sub3A_166 = arith.subf %add3A_163, %sub3A_165 : vector<16xf32>
      %mul3A_167 = arith.constant 6.400000e+01 : f32
      %mul3A_168 = vector.broadcast %mul3A_167 : f32 to vector<16xf32>
      %mul3A_169 = arith.mulf %mul3A_168, %sub3A_166 : vector<16xf32>
      %max3A = arith.constant 0.000000e+00 : f32
      %max3A_170 = vector.broadcast %max3A : f32 to vector<16xf32>
      %max3A_171 = arith.maximumf %mul3A_169, %max3A_170 : vector<16xf32>
      %neg3A = arith.constant 0.000000e+00 : f32
      %neg3A_172 = vector.broadcast %neg3A : f32 to vector<16xf32>
      %neg3A_173 = arith.subf %neg3A_172, %max3A_171 : vector<16xf32>
      %exp3A = math.exp %neg3A_173 : vector<16xf32>
      %mul3A_174 = arith.constant 2.500000e-01 : f32
      %mul3A_175 = vector.broadcast %mul3A_174 : f32 to vector<16xf32>
      %mul3A_176 = arith.mulf %exp3A, %mul3A_175 : vector<16xf32>
      %sub3A_177 = arith.constant 0.333333343 : f32
      %sub3A_178 = vector.broadcast %sub3A_177 : f32 to vector<16xf32>
      %sub3A_179 = arith.subf %sub3A_178, %mul3A_176 : vector<16xf32>
      %mul3A_180 = arith.mulf %exp3A, %sub3A_179 : vector<16xf32>
      %sub3A_181 = arith.constant 5.000000e-01 : f32
      %sub3A_182 = vector.broadcast %sub3A_181 : f32 to vector<16xf32>
      %sub3A_183 = arith.subf %sub3A_182, %mul3A_180 : vector<16xf32>
      %mul3A_184 = arith.mulf %exp3A, %sub3A_183 : vector<16xf32>
      %sub3A_185 = arith.constant 1.000000e+00 : f32
      %sub3A_186 = vector.broadcast %sub3A_185 : f32 to vector<16xf32>
      %sub3A_187 = arith.subf %sub3A_186, %mul3A_184 : vector<16xf32>
      %mul3A_188 = arith.mulf %exp3A, %sub3A_187 : vector<16xf32>
      %sub3A_189 = arith.constant 1.000000e+00 : f32
      %sub3A_190 = vector.broadcast %sub3A_189 : f32 to vector<16xf32>
      %sub3A_191 = arith.subf %mul3A_188, %sub3A_190 : vector<16xf32>
      %add3A_192 = arith.constant 1.000000e+00 : f32
      %add3A_193 = vector.broadcast %add3A_192 : f32 to vector<16xf32>
      %add3A_194 = arith.addf %add3A_193, %exp3A : vector<16xf32>
      %neg3A_195 = arith.constant 0.000000e+00 : f32
      %neg3A_196 = vector.broadcast %neg3A_195 : f32 to vector<16xf32>
      %neg3A_197 = arith.subf %neg3A_196, %mul3A_188 : vector<16xf32>
      %exp3A_198 = math.exp %neg3A_197 : vector<16xf32>
      %mul3A_199 = arith.mulf %add3A_194, %exp3A_198 : vector<16xf32>
      %add3A_200 = arith.addf %sub3A_191, %mul3A_199 : vector<16xf32>
      %sub3A_201 = arith.constant 1.000000e+00 : f32
      %sub3A_202 = vector.broadcast %sub3A_201 : f32 to vector<16xf32>
      %sub3A_203 = arith.subf %add3A_200, %sub3A_202 : vector<16xf32>
      %add3A_204 = arith.constant 1.000000e+00 : f32
      %add3A_205 = vector.broadcast %add3A_204 : f32 to vector<16xf32>
      %add3A_206 = arith.addf %add3A_205, %exp3A : vector<16xf32>
      %neg3A_207 = arith.constant 0.000000e+00 : f32
      %neg3A_208 = vector.broadcast %neg3A_207 : f32 to vector<16xf32>
      %neg3A_209 = arith.subf %neg3A_208, %add3A_200 : vector<16xf32>
      %exp3A_210 = math.exp %neg3A_209 : vector<16xf32>
      %mul3A_211 = arith.mulf %add3A_206, %exp3A_210 : vector<16xf32>
      %add3A_212 = arith.addf %sub3A_203, %mul3A_211 : vector<16xf32>
      %sub3A_213 = arith.constant 1.000000e+00 : f32
      %sub3A_214 = vector.broadcast %sub3A_213 : f32 to vector<16xf32>
      %sub3A_215 = arith.subf %add3A_212, %sub3A_214 : vector<16xf32>
      %add3A_216 = arith.constant 1.000000e+00 : f32
      %add3A_217 = vector.broadcast %add3A_216 : f32 to vector<16xf32>
      %add3A_218 = arith.addf %add3A_217, %exp3A : vector<16xf32>
      %neg3A_219 = arith.constant 0.000000e+00 : f32
      %neg3A_220 = vector.broadcast %neg3A_219 : f32 to vector<16xf32>
      %neg3A_221 = arith.subf %neg3A_220, %add3A_212 : vector<16xf32>
      %exp3A_222 = math.exp %neg3A_221 : vector<16xf32>
      %mul3A_223 = arith.mulf %add3A_218, %exp3A_222 : vector<16xf32>
      %add3A_224 = arith.addf %sub3A_215, %mul3A_223 : vector<16xf32>
      %add3A_225 = arith.addf %max3A_171, %add3A_224 : vector<16xf32>
      %swap3A_226 = arith.constant 0 : index
      %swap3A_227 = tpu.vector_load %arg9[%swap3A_226] {strides = array<i32>} : memref<16xf32, #tpu.memory_space<vmem>>, vector<16xf32>,
      %swap3A_228 = vector.shape_cast %swap3A_227 : vector<16xf32> to vector<16xf32>
      %swap3A_229 = vector.shape_cast %add3A_225 : vector<16xf32> to vector<16xf32>
      tpu.vector_store %arg9[%swap3A_226], %swap3A_229 {strides = array<i32>} : memref<16xf32, #tpu.memory_space<vmem>>, vector<16xf32>,
      "tpu.region"() ({
        %run_scoped3A = tpu.sem_alloc : memref<!tpu.dma_semaphore, #tpu.memory_space<semaphore_mem>>
        %dma_start3A_230 = arith.constant 0 : i32
        %dma_start3A_231 = tpu.memref_slice %arg5[%arg0, %dma_start3A_230] : memref<2x16xf32, #tpu.memory_space<hbm>> -> memref<1x16xf32, #tpu.memory_space<hbm>>
        %dma_start3A_232 = tpu.memref_squeeze %dma_start3A_231 : memref<1x16xf32, #tpu.memory_space<hbm>> -> memref<16xf32, #tpu.memory_space<hbm>>
        %dma_start3A_233 = arith.constant 0 : i32
        %dma_start3A_234 = tpu.memref_slice %arg5[%arg0, %dma_start3A_233] : memref<2x16xf32, #tpu.memory_space<hbm>> -> memref<1x16xf32, #tpu.memory_space<hbm>>
        %dma_start3A_235 = tpu.memref_squeeze %dma_start3A_234 : memref<1x16xf32, #tpu.memory_space<hbm>> -> memref<16xf32, #tpu.memory_space<hbm>>
        tpu.enqueue_dma source(%arg9 : memref<16xf32, #tpu.memory_space<vmem>>) target(%dma_start3A_235 : memref<16xf32, #tpu.memory_space<hbm>>) target_semaphore(%run_scoped3A : memref<!tpu.dma_semaphore, #tpu.memory_space<semaphore_mem>>)
        %dma_wait3A_236 = arith.constant 0 : i32
        %dma_wait3A_237 = tpu.memref_slice %arg5[%arg0, %dma_wait3A_236] : memref<2x16xf32, #tpu.memory_space<hbm>> -> memref<1x16xf32, #tpu.memory_space<hbm>>
        %dma_wait3A_238 = tpu.memref_squeeze %dma_wait3A_237 : memref<1x16xf32, #tpu.memory_space<hbm>> -> memref<16xf32, #tpu.memory_space<hbm>>
        %dma_wait3A_239 = arith.constant 0 : i32
        %dma_wait3A_240 = tpu.memref_slice %arg5[%arg0, %dma_wait3A_239] : memref<2x16xf32, #tpu.memory_space<hbm>> -> memref<1x16xf32, #tpu.memory_space<hbm>>
        %dma_wait3A_241 = tpu.memref_squeeze %dma_wait3A_240 : memref<1x16xf32, #tpu.memory_space<hbm>> -> memref<16xf32, #tpu.memory_space<hbm>>
        tpu.wait_dma2 semaphore(%run_scoped3A : memref<!tpu.dma_semaphore, #tpu.memory_space<semaphore_mem>>) src(%arg9 : memref<16xf32, #tpu.memory_space<vmem>>) dst(%dma_wait3A_241 : memref<16xf32, #tpu.memory_space<hbm>>)
        tpu.yield
      }) : () -> ()
    } else {
    }
    return
  }
}

</mosaic_0001>

<sc_bundles>
// kernel: kernel.3.cloned.1.call-start
scs
__scs_entry_jumppad:
0x0: {  	(pc) =	sbr.rel $0x88, $3  }
0x1: {  	(tag) =	ssettag $0x0;
	lr =	simm.s32 $0x1  }
0x2: {  	[smem:$0x3F9E] =	sst lr;
	_ =	strace $0xD0000000  }
0x3: {  	_ = 	snop  }
0x4: {  	_ = 	snop  }
0x5: {  	_ = 	snop  }
0x6: {  	_ = 	snop  }
0x7: {  	_ = 	snop  }
__scs_overlays_trampoline_lowered:
0x8: {  	[smem:$0x3FAD] =	sst s0  }
0x9: {  	[smem:$0x3FAE] =	sst s1  }
0xa: {  	[smem:$0x3FAF] =	sst s2  }
0xb: {  	[smem:$0x3FB0] =	sst s3  }
0xc: {  	[smem:$0x3FB1] =	sst s4  }
0xd: {  	[smem:$0x3FB2] =	sst s5  }
0xe: {  	[smem:$0x3FB3] =	sst s6  }
0xf: {  	[smem:$0x3FB4] =	sst s7  }
0x10: {  	[smem:$0x3FB5] =	sst s8  }
0x11: {  	[smem:$0x3FB6] =	sst s9;
	s0 =	simm.s32 @!p0 $0x0  }
0x12: {  	s1 =	sld [smem:$0x3F9C];
	s0 =	simm.s32 @p0 $0x1  }
0x13: {  	[smem:$0x3FB7] =	sst s0;
	s0 =	simm.s32 @!p1 $0x0  }
0x14: {  	s2 =	sld [smem:$0x3F9B];
	s0 =	simm.s32 @p1 $0x1  }
0x15: {  	[smem:$0x3FB8] =	sst s0;
	s0 =	simm.s32 @!p2 $0x0  }
0x16: {  	s3 =	sld [smem:$0x3FDB];
	s0 =	simm.s32 @p2 $0x1  }
0x17: {  	s4 =	simm.s32 $0x1BF5;
	[smem:$0x3FBA] =	sst s0  }
0x18: {  	s0 =	sld [smem:$0x3F9D];
	_ =	swait.ge [sflag:s4], $0x0  }
0x19: {  	s7 =	sld [smem:$0x3F9E]  }
0x1a: {  	s8 =	sadd.s32 $0xFFFFE003, lr  }
0x1b: {  	s9 =	sadd.s32 $0xFFFFFEF7, lr;
	s5 =	simm.s32 $0xFFFFFFFF;
	p2 =	slt.u32 s8, $0xFFFFF086  }
0x1c: {  	p1 =	slt.u32 s9, $0xF7A;
	s5 =	simm.s32 @!p2 $0x0  }
0x1d: {  	s5 =	simm.s32 @p1 $0x1;
	p0 =	seq.s32 s7, s2  }
0x1e: {  	s7 =	smul.u32 @!p0 $0xF7A, s2;
	p2 =	seq.s32 @!p0 s5, $0x0  }
0x1f: {  	s9 =	smul.u32 $0xF7A, s1;
	s8 =	simm.s32 @!p0 $0x1BF5;
	p2 =	por !p2, p0  }
0x20: {  	[sflag:s8] =	ssyncset.s32 @!p0 $0xFFFFF086;
	s6 =	sadd.s32 @!p0 s3, s7;
	s7 =	simm.s32 @!p0 $0x108  }
0x21: {  	s3 =	sadd.s32 s3, s9;
	s6 =	sadd.s32 @!p0 $0x88, s6;
	s7 =	simm.s32 @p2 $0x1082  }
0x22: {  	[simem:s7], [sflag:s8] =	dma.local @!p0 [hbm:s6], $0xF7A  }
0x23: {  	s9 =	sor.u32 $0xD0000000, s2;
	s6 =	simm.s32 $0x108;
	_ =	swait.ge @!p0 [sflag:s8], $0x0  }
0x24: {  	s3 =	sadd.s32 $0x88, s3;
	s6 =	simm.s32 @!p1 $0x1082;
	[sflag:s4] =	ssyncset.s32 $0xFFFFF086  }
0x25: {  	[simem:s6], [sflag:s4] =	dma.local [hbm:s3], $0xF7A  }
0x26: {  	[smem:$0x3F9E] =	sst s1;
	(tag) =	ssettag s2;
	_ =	strace s9  }
0x27: {  	s1 =	sld [smem:$0x3FAE]  }
0x28: {  	s2 =	sld [smem:$0x3FAF]  }
0x29: {  	s4 =	sld [smem:$0x3FB1]  }
0x2a: {  	p0 =	seq.s32 s5, $0x0;
	s5 =	sld [smem:$0x3FB2]  }
0x2b: {  	s6 =	sld [smem:$0x3FB3]  }
0x2c: {  	s7 =	sld [smem:$0x3FB4]  }
0x2d: {  	s3 =	simm.s32 $0x108;
	s8 =	sld [smem:$0x3FB5]  }
0x2e: {  	s3 =	simm.s32 @!p0 $0x1082;
	s9 =	sld [smem:$0x3FB6]  }
0x2f: {  	lr =	sadd.s32 s0, s3;
	s0 =	sld [smem:$0x3FAD]  }
0x30: {  	s3 =	sld [smem:$0x3FB0]  }
0x31: {  	[smem:$0x3FB9] =	sst s10  }
0x32: {  	s10 =	sld [smem:$0x3FB7];
	_ =	sdelay $0x3  }
0x33: {  	p0 =	seq.s32 s10, $0x1;
	s10 =	sld [smem:$0x3FB9];
	_ =	sdelay $0x3  }
0x34: {  	[smem:$0x3FB9] =	sst s10  }
0x35: {  	s10 =	sld [smem:$0x3FB8];
	_ =	sdelay $0x3  }
0x36: {  	p1 =	seq.s32 s10, $0x1;
	s10 =	sld [smem:$0x3FB9];
	_ =	sdelay $0x3  }
0x37: {  	[smem:$0x3FB9] =	sst s10  }
0x38: {  	s10 =	sld [smem:$0x3FBA]  }
0x39: {  	_ = 	snop;
	(pc) =	sbr.ind lr, $3  }
0x3a: {  	_ = 	snop  }
0x3b: {  	_ = 	snop  }
0x3c: {  	p2 =	seq.s32 s10, $0x1;
	s10 =	sld [smem:$0x3FB9]  }
0x3d: {  	_ =	shalt  }
0x3e: {  	_ =	shalt  }
0x3f: {  	_ =	shalt  }
0x40: {  	_ =	shalt  }
0x41: {  	_ =	shalt  }
0x42: {  	_ =	shalt  }
0x43: {  	_ =	shalt  }
0x44: {  	_ =	shalt  }
0x45: {  	_ =	shalt  }
0x46: {  	_ =	shalt  }
0x47: {  	_ =	shalt  }
0x48: {  	_ =	shalt  }
0x49: {  	_ =	shalt  }
0x4a: {  	_ =	shalt  }
0x4b: {  	_ =	shalt  }
0x4c: {  	_ =	shalt  }
0x4d: {  	_ =	shalt  }
0x4e: {  	_ =	shalt  }
0x4f: {  	_ =	shalt  }
0x50: {  	_ =	shalt  }
0x51: {  	_ =	shalt  }
0x52: {  	_ =	shalt  }
0x53: {  	_ =	shalt  }
0x54: {  	_ =	shalt  }
0x55: {  	_ =	shalt  }
0x56: {  	_ =	shalt  }
0x57: {  	_ =	shalt  }
0x58: {  	_ =	shalt  }
0x59: {  	_ =	shalt  }
0x5a: {  	_ =	shalt  }
0x5b: {  	_ =	shalt  }
0x5c: {  	_ =	shalt  }
0x5d: {  	_ =	shalt  }
0x5e: {  	_ =	shalt  }
0x5f: {  	_ =	shalt  }
0x60: {  	_ =	shalt  }
0x61: {  	_ =	shalt  }
0x62: {  	_ =	shalt  }
0x63: {  	_ =	shalt  }
0x64: {  	_ =	shalt  }
0x65: {  	_ =	shalt  }
0x66: {  	_ =	shalt  }
0x67: {  	_ =	shalt  }
0x68: {  	_ =	shalt  }
0x69: {  	_ =	shalt  }
0x6a: {  	_ =	shalt  }
0x6b: {  	_ =	shalt  }
0x6c: {  	_ =	shalt  }
0x6d: {  	_ =	shalt  }
0x6e: {  	_ =	shalt  }
0x6f: {  	_ =	shalt  }
0x70: {  	_ =	shalt  }
0x71: {  	_ =	shalt  }
0x72: {  	_ =	shalt  }
0x73: {  	_ =	shalt  }
0x74: {  	_ =	shalt  }
0x75: {  	_ =	shalt  }
0x76: {  	_ =	shalt  }
0x77: {  	_ =	shalt  }
0x78: {  	_ =	shalt  }
0x79: {  	_ =	shalt  }
0x7a: {  	_ =	shalt  }
0x7b: {  	_ =	shalt  }
0x7c: {  	_ =	shalt  }
0x7d: {  	_ =	shalt  }
0x7e: {  	_ =	shalt  }
0x7f: {  	_ =	shalt  }
0x80: {  	_ =	shalt  }
0x81: {  	_ =	shalt  }
0x82: {  	_ =	shalt  }
0x83: {  	_ =	shalt  }
0x84: {  	_ =	shalt  }
0x85: {  	_ =	shalt  }
0x86: {  	_ =	shalt  }
0x87: {  	_ =	shalt  }
.Lfunc_end0:
.L_simem_size_0:
called_computation_lowered:
.L_overlay_start_0:
0x88: {  	s2 =	sld [smem:$0x3FD9]  }
0x89: {  	s3 =	sld [smem:$0x3FFE];
	_ =	sdelay $0x1  }
0x8a: {  	s1 =	srdreg.scid  }
0x8b: {  	s0 =	sand.u32 $0x1, s1  }
0x8c: {  	s17 =	sshll.u32 s0, $0xA;
	s2 =	sadd.s32 s3, s2  }
0x8d: {  	s2 =	sadd.s32 s2, s17  }
0x8e: {  	[smem:$0x3FC5] =	sst s2  }
0x8f: {  	_ = 	snop  }
0x90: {  	s2 =	sld [smem:$0x3FC9]  }
0x91: {  	s18 =	sld [smem:$0x3FC8]  }
0x92: {  	s4 =	sld [smem:$0x3FC7];
	(tm) =	ssettm $0x1  }
0x93: {  	s5 =	sld [smem:$0x3FFB];
	_ =	sdelay $0x3  }
0x94: {  	_ =	strace s5  }
0x95: {  	s5 =	sld [smem:$0x3FFC];
	_ =	sdelay $0x3  }
0x96: {  	_ =	strace s5  }
0x97: {  	s5 =	sld [smem:$0x3FFD];
	_ =	sdelay $0x3  }
0x98: {  	_ =	strace s5  }
0x99: {  	_ =	strace $0x8FFFFFFF  }
0x9a: {  	s19 =	sld [smem:$0x3FDB];
	_ =	sdelay $0x1  }
0x9b: {  	s6 =	simm.s32 $_scs_section_size  }
0x9c: {  	s7 =	simm.s32 $_size__tile_overlayer_lowered;
	s8 =	simm.s32 $_tile_overlayer_lowered  }
0x9d: {  	s22 =	simm.s32 $0x1BFF;
	s21 =	sshll.u32 s8, $0x1;
	s5 =	sadd.s32 s6, s19  }
0x9e: {  	s9 =	simm.s32 $0x0;
	s20 =	sshll.u32 s7, $0x1;
	s7 =	sadd.s32 s21, s5  }
0x9f: {  	[timem:s9], [sflag:s22] =	dma.local [hbm:s7], s20  }
0xa0: {  	_ =	swait.ge [sflag:s22], s20  }
0xa1: {  	s6 =	ssub.s32 $0x0, s20;
	[sflag:s22] =	ssyncset.done $0x0  }
0xa2: {  	[sflag:s22] =	ssyncadd.s32 s6;
	_ =	sdelay $0x1  }
0xa3: {  	s23 =	simm.s32 $0x1B8B  }
0xa4: {  	_ =	swait.ge [sflag:s23], $0x1  }
0xa5: {  	[sflag:s23] =	ssyncset.done $0x0  }
0xa6: {  	s25 =	simm.s32 $0x1B8E;
	s24 =	sld [smem:$0x3FFE];
	[sflag:s23] =	ssyncadd.s32 $0xFFFFFFFF  }
0xa7: {  	s26 =	simm.s32 $execute0_lowered;
	[smem:$0x3FD2] =	sst s25  }
0xa8: {  	s7 =	sshll.u32 s26, $0x1;
	_ =	strace $0x80000046;
	[dreg:$0x1] =	wrdreg $0xFFFFFFFF  }
0xa9: {  	s28 =	simm.s32 $_size_execute0_lowered;
	s5 =	sadd.s32 s5, s7;
	[dreg:$0x0] =	wrdreg $0x0  }
0xaa: {  	s7 =	sshll.u32 s28, $0x1;
	[dreg:$0x2] =	wrdreg s5  }
0xab: {  	[dreg:$0x3] =	wrdreg s7  }
0xac: {  	[dreg:$0x4] =	wrdreg $0xC0  }
0xad: {  	_ =	task [dreg:s9], $0x5FFFF  }
0xae: {  	[dreg:$0x1] =	wrdreg $0xFFFFFFFF  }
0xaf: {  	[dreg:$0x0] =	wrdreg $0x60  }
0xb0: {  	[dreg:$0x2] =	wrdreg s2  }
0xb1: {  	[dreg:$0x3] =	wrdreg s18  }
0xb2: {  	[dreg:$0x4] =	wrdreg s4  }
0xb3: {  	[dreg:$0x5] =	wrdreg s24  }
0xb4: {  	[dreg:$0x6] =	wrdreg $0x41800  }
0xb5: {  	[dreg:$0x7] =	wrdreg $0x9  }
0xb6: {  	_ =	task.clear_ibuf [dreg:s9], $0x8FFFF;
	_ =	strace $0x90000046  }
0xb7: {  	s29 =	simm.s32 $0x9;
	_ =	strace $0x80000048  }
0xb8: {  	_ =	swait.ge [sflag:s29], $0x1  }
0xb9: {  	[sflag:s29] =	ssyncadd.s32 $0xFFFFFFFF  }
0xba: {  	_ =	strace $0x90000048  }
0xbb: {  	_ =	sfence  }
0xbc: {  	s30 =	sld [smem:$0x0];
	_ =	sdelay $0x2  }
0xbd: {  	s31 =	sshll.u32 s1, $0xD;
	s1 =	sshrl.u32 s1, $0x2  }
0xbe: {  	s3 =	sand.u32 $0x4000, s31;
	s1 =	sadd.s32 s1, s30  }
0xbf: {  	s0 =	sor.u32 s3, s0;
	s1 =	sshll.u32 s1, $0x11  }
0xc0: {  	s0 =	sor.u32 s1, s0  }
0xc1: {  	s0 =	sadd.s32 $0x8F2B, s0  }
0xc2: {  	[sflag:s0] =	ssyncadd.remote.s32 $0x1  }
0xc3: {  	_ =	sfence.sel $0xFFFF  }
0xc4: {  	[dreg:$0x0] =	wrdreg $0xFFFFFFFF;
	(pc) =	sbr.abs _section_cstart, $3  }
0xc5: {  	[dreg:$0x1] =	wrdreg $0xFFFFFFFF  }
0xc6: {  	_ =	task.clear_ibuf [dreg:s9], $0x2FFFF;
	_ =	strace $0x9FFFFFFF  }
0xc7: {  	(tm) =	ssettm $0x7FFFFFFF  }
tec
execute0_lowered:
.L_overlay_start_1:
0x0: {  	(tag) =	ssettag $0x1  }
0x1: {  	s0 =	rddreg [dreg:$0x0]  }
0x2: {  	s1 =	rddreg [dreg:$0x1]  }
0x3: {  	s3 =	rddreg [dreg:$0x2]  }
0x4: {  	s7 =	rddreg [dreg:$0x3]  }
0x5: {  	s4 =	rddreg [dreg:$0x4]  }
0x6: {  	v0 =	vimm.s32 $0xFEDCBA98;
	s2 =	rddreg [dreg:$0x5];
	s5 =	simm.s32 $0x0;
	s6 =	srdreg.scid;
	v1 =	vimm.s32 $0x76543210;
	v2 =	vimm.s32 $0xBA98FEDC  }
0x7: {  	s12 =	stileid.u32;
	v3 =	vimm.s32 $0x32107654;
	v4 =	vimm.s32 $0xDCFE98BA;
	v5 =	vimm.s32 $0x54761032;
	s13 =	simm.s32 $0x100;
	s14 =	simm.s32 $0x80  }
0x8: {  	v6 =	vimm.s32 $0xEFCDAB89;
	s15 =	simm.s32 $0x2080;
	s16 =	simm.s32 $0x1080;
	s17 =	simm.s32 $0x3080  }
0x9: {  	v7 =	vimm.s32 $0x67452301;
	s18 =	simm.s32 $0x1;
	s19 =	simm.s32 $0x2;
	s20 =	simm.s32 $0x3;
	v0 =	vunpack.c.l.s4.s8 v0;
	v1 =	vunpack.c.l.s4.s8 v1  }
0xa: {  	s21 =	simm.s32 $0x4;
	s22 =	simm.s32 $0x10;
	s23 =	simm.s32 $0x4100;
	v2 =	vunpack.c.l.s4.s8 v2;
	v3 =	vunpack.c.l.s4.s8 v3;
	v4 =	vunpack.c.l.s4.s8 v4  }
0xb: {  	s24 =	simm.s32 $0x4080;
	s25 =	simm.s32 $0x0;
	[smem:$0x7FF] =	sst s5;
	v5 =	vunpack.c.l.s4.s8 v5;
	v6 =	vunpack.c.l.s4.s8 v6;
	v7 =	vunpack.c.l.s4.s8 v7  }
0xc: {  	s10 =	sand.u32 $0x1, s6;
	s6 =	sshll.u32 s12, $0xE;
	p0 =	sne.s32 s12, $0x0;
	v0 =	vunpack.c.0.s8.s32 v0;
	v1 =	vunpack.c.0.s8.s32 v1;
	v2 =	vunpack.c.0.s8.s32 v2  }
0xd: {  	s12 =	simm.s32 $0x5;
	s8 =	ssub.s32 $0x2, s10;
	s9 =	sshll.u32 s10, $0x4;
	v3 =	vunpack.c.0.s8.s32 v3;
	v4 =	vunpack.c.0.s8.s32 v4;
	v5 =	vunpack.c.0.s8.s32 v5  }
0xe: {  	_ =	strace $0x80000047;
	s11 =	sshrl.u32 s8, $0x1;
	s9 =	sadd.s32 s9, s7;
	v6 =	vunpack.c.0.s8.s32 v6;
	v7 =	vunpack.c.0.s8.s32 v7;
	v0 =	vand.u32 $0xF, v0  }
0xf: {  	s7 =	sshll.u32 s10, $0x13;
	s10 =	sxor.u32 $0x1, s10;
	s11 =	ssub.s32 s8, s11;
	v0 =	vcombine.low v0, v1;
	v1 =	vcombine.low v3, v2  }
0x10: {  	s8 =	sor.u32 $0x2000, s6;
	s9 =	sadd.s32 $0x600, s9;
	s11 =	smax.u32 s11, $0x1;
	v2 =	vcombine.low v5, v4;
	v3 =	vlaneseq.u32;
	v4 =	vcombine.low v7, v6  }
.LBB2_1:
0x11: {  	[tilespmem:s5], [sflag:$0x5] =	stream.linear.gather [hbm4b:s3+s5], $0x2, $0x38;
	[tilespmem:$0x4188] =	vst v63  }
0x12: {  	_ =	swait.ge [sflag:s12], $0x2  }
0x13: {  	[sflag:s12] =	ssyncset.done $0x0  }
0x14: {  	v5 =	vimm.f32 @!p0 $0.0e+00;
	[sflag:s12] =	ssyncadd.s32 $0xFFFFFFFE  }
0x15: {  	s26 =	simm.s32 @!p0 $0x4080;
	[tilespmem:$0x4080] =	vst @!p0 v5  }
0x16: {  	[spmem:s4] =	stream.linear.scatter @!p0 [tilespmem:s26], [sflag:$0x5], $0x80, $0x38;
	[tilespmem:$0x4188] =	vst v63  }
0x17: {  	s26 =	simm.s32 @!p0 $0x5  }
0x18: {  	_ =	swait.ge @!p0 [sflag:s26], $0x80  }
0x19: {  	[sflag:s26] =	ssyncset.done @!p0 $0x0  }
0x1a: {  	[sflag:s26] =	ssyncadd.s32 @!p0 $0xFFFFFF80  }
0x1b: {  	v5 =	vld [tilespmem:$0x0];
	_ =	sdelay $0x4  }
0x1c: {  	(v2sf) =	vpush v5, $0x0  }
0x1d: {  	(v2sf) =	vpush v5, $0x1;
	_ =	sdelay $0xd  }
0x1e: {  	s30 =	spop (v2sf)  }
0x1f: {  	s28 =	spop (v2sf)  }
0x20: {  	s26 =	smov.u32 s10;
	p1 =	seq.s32 s30, s28  }
0x21: {  	s28 =	smov.u32 s7;
	s26 =	simm.s32 @p1 $0x0  }
0x22: {  	s28 =	simm.s32 @p1 $0x0;
	s29 =	sshll.u32 s26, $0x12;
	s26 =	sshll.u32 s26, $0x7  }
0x23: {  	s28 =	sor.u32 s28, s29;
	s31 =	sor.u32 s6, s26  }
0x24: {  	s29 =	sor.u32 s28, s31  }
0x25: {  	s26 =	sor.u32 s8, s26;
	s29 =	sshrl.u32 s29, $0x3  }
0x26: {  	s26 =	sor.u32 s28, s26;
	s30 =	sadd.s32 s0, s29  }
0x27: {  	[tilespmem:s14], [sflag:$0x1] =	stream.strided.gather [hbm4b:s30+s14], $0x1000, s13, s14, $0x38;
	[tilespmem:$0x4188] =	vst v63  }
0x28: {  	s26 =	sshrl.u32 s26, $0x3;
	s29 =	sadd.s32 s1, s29  }
0x29: {  	[tilespmem:s15], [sflag:$0x2] =	stream.strided.gather [hbm4b:s29+s14], $0x1000, s13, s14, $0x38;
	[tilespmem:$0x4188] =	vst v63  }
0x2a: {  	s28 =	sadd.s32 s0, s26  }
0x2b: {  	[tilespmem:s16], [sflag:$0x3] =	stream.strided.gather [hbm4b:s28+s14], $0x1000, s13, s14, $0x38;
	[tilespmem:$0x4188] =	vst v63  }
0x2c: {  	s26 =	sadd.s32 s1, s26  }
0x2d: {  	[tilespmem:s17], [sflag:$0x4] =	stream.strided.gather [hbm4b:s26+s14], $0x1000, s13, s14, $0x38;
	[tilespmem:$0x4188] =	vst v63  }
0x2e: {  	_ =	swait.ge [sflag:s18], $0x1000  }
0x2f: {  	[sflag:s18] =	ssyncset.done $0x0  }
0x30: {  	[sflag:s18] =	ssyncadd.s32 $0xFFFFF000  }
0x31: {  	_ =	swait.ge [sflag:s19], $0x1000  }
0x32: {  	[sflag:s19] =	ssyncset.done $0x0  }
0x33: {  	s28 =	simm.s32 $0x0;
	[sflag:s19] =	ssyncadd.s32 $0xFFFFF000  }
0x34: {  	v5 =	vld [tilespmem:s28+$0xF0]  }
0x35: {  	v6 =	vld [tilespmem:s28+$0x20F0]  }
0x36: {  	v7 =	vld [tilespmem:s28+$0x80]  }
0x37: {  	v8 =	vld [tilespmem:s28+$0x2080]  }
0x38: {  	v9 =	vld [tilespmem:s28+$0x90]  }
0x39: {  	v10 =	vld [tilespmem:s28+$0x2090]  }
0x3a: {  	v11 =	vld [tilespmem:s28+$0xA0]  }
0x3b: {  	v12 =	vld [tilespmem:s28+$0x20A0];
	_ =	sdelay $0x1  }
0x3c: {  	v14 =	vld [tilespmem:s28+$0x20C0]  }
0x3d: {  	v5 =	vsub.f32 v5, v6;
	v6 =	vld [tilespmem:s28+$0xB0]  }
0x3e: {  	v7 =	vsub.f32 v7, v8;
	v8 =	vld [tilespmem:s28+$0x20B0]  }
0x3f: {  	v9 =	vsub.f32 v9, v10;
	v10 =	vld [tilespmem:s28+$0xC0];
	v11 =	vsub.f32 v11, v12  }
0x40: {  	v5 =	vadd.f32 $9.999999970e-07, v5;
	v7 =	vadd.f32 $9.999999970e-07, v7  }
0x41: {  	v9 =	vadd.f32 $9.999999970e-07, v9;
	v11 =	vadd.f32 $9.999999970e-07, v11  }
0x42: {  	v13 =	vld [tilespmem:s28+$0xD0];
	v5 =	vmul.f32 v5, v5;
	v12 =	vmul.f32 v7, v7;
	v7 =	vimm.f32 $0.0e+00  }
0x43: {  	v16 =	vld [tilespmem:s28+$0x20D0];
	v19 =	vmul.f32 v9, v9;
	v18 =	vmul.f32 v11, v11;
	v11 =	vimm.f32 $0.0e+00  }
0x44: {  	v15 =	vld [tilespmem:s28+$0xE0];
	v9 =	vimm.f32 $0.0e+00;
	v8 =	vsub.f32 v6, v8;
	v21 =	vsub.f32 v10, v14  }
0x45: {  	s26 =	simm.s32 $0x80;
	v17 =	vld [tilespmem:s28+$0x20E0];
	v10 =	vimm.f32 $0.0e+00;
	v6 =	vadd.f32 v5, v7;
	v5 =	vadd.f32 v12, v7  }
0x46: {  	s28 =	simm.s32 $0x400;
	v14 =	vld [tilespmem:s26+$0xF0];
	v12 =	vimm.f32 $0.0e+00;
	v20 =	vadd.f32 $9.999999970e-07, v8;
	v8 =	vimm.f32 $0.0e+00  }
.LBB2_2:
0x47: {  	p1 =	sne.s32 s28, $0x3E00;
	v22 =	vld [tilespmem:s26+$0x20F0];
	v7 =	vadd.f32 v19, v7  }
0x48: {  	v19 =	vld [tilespmem:s26+$0x80];
	v20 =	vmul.f32 v20, v20;
	v21 =	vadd.f32 $9.999999970e-07, v21;
	v13 =	vsub.f32 v13, v16  }
0x49: {  	v12 =	vadd.f32 v18, v12;
	v16 =	vld [tilespmem:s26+$0x2080]  }
0x4a: {  	v18 =	vld [tilespmem:s26+$0x90];
	v21 =	vmul.f32 v21, v21;
	v13 =	vadd.f32 $9.999999970e-07, v13;
	v15 =	vsub.f32 v15, v17  }
0x4b: {  	v11 =	vadd.f32 v20, v11;
	v17 =	vld [tilespmem:s26+$0x2090]  }
0x4c: {  	v20 =	vld [tilespmem:s26+$0xA0];
	v14 =	vsub.f32 v14, v22;
	v13 =	vmul.f32 v13, v13;
	v15 =	vadd.f32 $9.999999970e-07, v15  }
0x4d: {  	v10 =	vadd.f32 v21, v10;
	v22 =	vld [tilespmem:s26+$0x20A0]  }
0x4e: {  	v16 =	vsub.f32 v19, v16;
	v19 =	vld [tilespmem:s26+$0xB0];
	v14 =	vadd.f32 $9.999999970e-07, v14;
	v15 =	vmul.f32 v15, v15  }
0x4f: {  	v9 =	vadd.f32 v13, v9;
	v21 =	vld [tilespmem:s26+$0x20B0]  }
0x50: {  	v13 =	vadd.f32 $9.999999970e-07, v16;
	v16 =	vsub.f32 v18, v17;
	v23 =	vld [tilespmem:s26+$0xC0];
	v14 =	vmul.f32 v14, v14  }
0x51: {  	v8 =	vadd.f32 v15, v8;
	v24 =	vld [tilespmem:s26+$0x20C0]  }
.Ltmp0:
0x52: {  	v17 =	vmul.f32 v13, v13;
	v15 =	vsub.f32 v20, v22;
	v13 =	vld [tilespmem:s26+$0xD0];
	v6 =	vadd.f32 v14, v6;
	(pc) =	sbr.rel @p1 .LBB2_2-.Ltmp0, $4  }
0x53: {  	v14 =	vadd.f32 $9.999999970e-07, v16;
	v16 =	vld [tilespmem:s26+$0x20D0]  }
0x54: {  	v18 =	vadd.f32 $9.999999970e-07, v15;
	v20 =	vsub.f32 v19, v21;
	v15 =	vld [tilespmem:s26+$0xE0]  }
0x55: {  	v5 =	vadd.f32 v17, v5;
	v19 =	vmul.f32 v14, v14;
	v17 =	vld [tilespmem:s26+$0x20E0];
	s26 =	sshra.s32 s28, $0x2  }
0x56: {  	s28 =	sadd.s32 $0x200, s28;
	v14 =	vld [tilespmem:s26+$0xF0];
	v18 =	vmul.f32 v18, v18;
	v20 =	vadd.f32 $9.999999970e-07, v20;
	v21 =	vsub.f32 v23, v24  }
0x57: {  	v22 =	vld [tilespmem:s26+$0x20F0]  }
0x58: {  	v23 =	vld [tilespmem:s26+$0x80]  }
0x59: {  	v24 =	vld [tilespmem:s26+$0x2080]  }
0x5a: {  	v25 =	vld [tilespmem:s26+$0x90]  }
0x5b: {  	v26 =	vld [tilespmem:s26+$0x2090]  }
0x5c: {  	v27 =	vld [tilespmem:s26+$0xA0]  }
0x5d: {  	v28 =	vld [tilespmem:s26+$0x20A0]  }
0x5e: {  	v29 =	vld [tilespmem:s26+$0xB0]  }
0x5f: {  	v30 =	vld [tilespmem:s26+$0x20B0]  }
0x60: {  	v31 =	vld [tilespmem:s26+$0xC0]  }
0x61: {  	v32 =	vld [tilespmem:s26+$0x20C0]  }
0x62: {  	v33 =	vld [tilespmem:s26+$0xD0]  }
0x63: {  	v34 =	vld [tilespmem:s26+$0x20D0];
	v13 =	vsub.f32 v13, v16  }
0x64: {  	v16 =	vld [tilespmem:s26+$0xE0];
	v21 =	vadd.f32 $9.999999970e-07, v21;
	v15 =	vsub.f32 v15, v17  }
0x65: {  	v7 =	vadd.f32 v19, v7;
	v19 =	vmul.f32 v20, v20;
	v17 =	vld [tilespmem:s26+$0x20E0];
	v13 =	vadd.f32 $9.999999970e-07, v13;
	_ =	swait.ge [sflag:s20], $0x1000  }
0x66: {  	v12 =	vadd.f32 v18, v12;
	v18 =	vmul.f32 v21, v21;
	[sflag:s20] =	ssyncset.done $0x0;
	v15 =	vadd.f32 $9.999999970e-07, v15  }
0x67: {  	v19 =	vadd.f32 v19, v11;
	v11 =	vsub.f32 v14, v22;
	v13 =	vmul.f32 v13, v13;
	[sflag:s20] =	ssyncadd.s32 $0xFFFFF000  }
0x68: {  	v14 =	vadd.f32 v18, v10;
	v10 =	vsub.f32 v23, v24;
	_ =	swait.ge [sflag:s21], $0x1000;
	v15 =	vmul.f32 v15, v15  }
0x69: {  	v13 =	vadd.f32 v13, v9;
	v9 =	vadd.f32 $9.999999970e-07, v11;
	[sflag:s21] =	ssyncset.done $0x0  }
0x6a: {  	s28 =	simm.s32 $0x0;
	v11 =	vsub.f32 v25, v26;
	[sflag:s21] =	ssyncadd.s32 $0xFFFFF000;
	v15 =	vadd.f32 v15, v8  }
0x6b: {  	v8 =	vadd.f32 $9.999999970e-07, v10;
	v9 =	vmul.f32 v9, v9;
	v10 =	vsub.f32 v27, v28;
	v18 =	vld [tilespmem:s28+$0x10F0]  }
0x6c: {  	v20 =	vsub.f32 v29, v30;
	v11 =	vadd.f32 $9.999999970e-07, v11;
	v21 =	vld [tilespmem:s28+$0x30F0]  }
0x6d: {  	v23 =	vld [tilespmem:s28+$0x1080];
	v8 =	vmul.f32 v8, v8;
	v22 =	vadd.f32 v9, v6;
	v6 =	vadd.f32 $9.999999970e-07, v10  }
0x6e: {  	v60 =	vld [tilespmem:s28+$0x3080];
	v9 =	vmul.f32 v11, v11;
	v11 =	vadd.f32 $9.999999970e-07, v20;
	v20 =	vsub.f32 v31, v32  }
0x6f: {  	v62 =	vld [tilespmem:s28+$0x1090];
	v61 =	vadd.f32 v8, v5  }
0x70: {  	v5 =	vmul.f32 v6, v6;
	v6 =	vsub.f32 v33, v34;
	v8 =	vadd.f32 $9.999999970e-07, v20;
	v20 =	vld [tilespmem:s28+$0x3090]  }
0x71: {  	v10 =	vadd.f32 v9, v7;
	v7 =	vmul.f32 v11, v11;
	v9 =	vsub.f32 v16, v17;
	v16 =	vld [tilespmem:s28+$0x10A0]  }
0x72: {  	v17 =	vsub.f32 v18, v21;
	v18 =	vld [tilespmem:s28+$0x10B0];
	v6 =	vadd.f32 $9.999999970e-07, v6  }
0x73: {  	v11 =	vadd.f32 v5, v12;
	v5 =	vmul.f32 v8, v8;
	v8 =	vadd.f32 v7, v19;
	v7 =	vld [tilespmem:s28+$0x30A0]  }
0x74: {  	v21 =	vld [tilespmem:s28+$0x10C0];
	v12 =	vadd.f32 $9.999999970e-07, v9;
	v6 =	vmul.f32 v6, v6  }
0x75: {  	v19 =	vld [tilespmem:s28+$0x30B0];
	v9 =	vadd.f32 v5, v14;
	v14 =	vsub.f32 v23, v60  }
0x76: {  	v12 =	vmul.f32 v12, v12;
	v23 =	vld [tilespmem:s28+$0x30C0];
	v20 =	vsub.f32 v62, v20;
	v5 =	vadd.f32 v6, v13  }
0x77: {  	v13 =	vadd.f32 $9.999999970e-07, v17;
	v17 =	vadd.f32 $9.999999970e-07, v14  }
0x78: {  	v6 =	vadd.f32 v12, v15;
	v14 =	vld [tilespmem:s28+$0x10D0];
	v7 =	vsub.f32 v16, v7  }
0x79: {  	v16 =	vadd.f32 $9.999999970e-07, v20;
	v12 =	vmul.f32 v13, v13;
	v15 =	vmul.f32 v17, v17;
	v17 =	vld [tilespmem:s28+$0x30D0]  }
0x7a: {  	v63 =	vsub.f32 v18, v19;
	v13 =	vld [tilespmem:s28+$0x10E0];
	v20 =	vadd.f32 $9.999999970e-07, v7  }
0x7b: {  	s26 =	simm.s32 $0x80;
	v19 =	vmul.f32 v16, v16;
	v16 =	vld [tilespmem:s28+$0x30E0];
	v21 =	vsub.f32 v21, v23;
	v7 =	vadd.f32 v12, v22  }
0x7c: {  	s28 =	simm.s32 $0x400;
	v12 =	vadd.f32 v15, v61;
	v15 =	vld [tilespmem:s26+$0x10F0];
	v18 =	vmul.f32 v20, v20;
	v20 =	vadd.f32 $9.999999970e-07, v63  }
.LBB2_4:
0x7d: {  	p1 =	sne.s32 s28, $0x3E00;
	v22 =	vld [tilespmem:s26+$0x30F0];
	v10 =	vadd.f32 v19, v10  }
0x7e: {  	v19 =	vld [tilespmem:s26+$0x1080];
	v20 =	vmul.f32 v20, v20;
	v21 =	vadd.f32 $9.999999970e-07, v21;
	v14 =	vsub.f32 v14, v17  }
0x7f: {  	v11 =	vadd.f32 v18, v11;
	v17 =	vld [tilespmem:s26+$0x3080]  }
0x80: {  	v18 =	vld [tilespmem:s26+$0x1090];
	v21 =	vmul.f32 v21, v21;
	v14 =	vadd.f32 $9.999999970e-07, v14;
	v13 =	vsub.f32 v13, v16  }
0x81: {  	v8 =	vadd.f32 v20, v8;
	v16 =	vld [tilespmem:s26+$0x3090]  }
0x82: {  	v20 =	vld [tilespmem:s26+$0x10A0];
	v15 =	vsub.f32 v15, v22;
	v14 =	vmul.f32 v14, v14;
	v13 =	vadd.f32 $9.999999970e-07, v13  }
0x83: {  	v9 =	vadd.f32 v21, v9;
	v22 =	vld [tilespmem:s26+$0x30A0]  }
0x84: {  	v17 =	vsub.f32 v19, v17;
	v19 =	vld [tilespmem:s26+$0x10B0];
	v15 =	vadd.f32 $9.999999970e-07, v15;
	v13 =	vmul.f32 v13, v13  }
0x85: {  	v5 =	vadd.f32 v14, v5;
	v21 =	vld [tilespmem:s26+$0x30B0]  }
0x86: {  	v14 =	vadd.f32 $9.999999970e-07, v17;
	v16 =	vsub.f32 v18, v16;
	v23 =	vld [tilespmem:s26+$0x10C0];
	v15 =	vmul.f32 v15, v15  }
0x87: {  	v6 =	vadd.f32 v13, v6;
	v24 =	vld [tilespmem:s26+$0x30C0]  }
.Ltmp1:
0x88: {  	v18 =	vmul.f32 v14, v14;
	v13 =	vsub.f32 v20, v22;
	v14 =	vld [tilespmem:s26+$0x10D0];
	v7 =	vadd.f32 v15, v7;
	(pc) =	sbr.rel @p1 .LBB2_4-.Ltmp1, $4  }
0x89: {  	v15 =	vadd.f32 $9.999999970e-07, v16;
	v17 =	vld [tilespmem:s26+$0x30D0]  }
0x8a: {  	v20 =	vadd.f32 $9.999999970e-07, v13;
	v21 =	vsub.f32 v19, v21;
	v13 =	vld [tilespmem:s26+$0x10E0]  }
0x8b: {  	v12 =	vadd.f32 v18, v12;
	v19 =	vmul.f32 v15, v15;
	v16 =	vld [tilespmem:s26+$0x30E0];
	s26 =	sshra.s32 s28, $0x2  }
0x8c: {  	s28 =	sadd.s32 $0x200, s28;
	v15 =	vld [tilespmem:s26+$0x10F0];
	v18 =	vmul.f32 v20, v20;
	v20 =	vadd.f32 $9.999999970e-07, v21;
	v21 =	vsub.f32 v23, v24  }
0x8d: {  	v22 =	vld [tilespmem:s26+$0x30F0]  }
0x8e: {  	v23 =	vld [tilespmem:s26+$0x1080]  }
0x8f: {  	v24 =	vld [tilespmem:s26+$0x3080]  }
0x90: {  	v25 =	vld [tilespmem:s26+$0x1090]  }
0x91: {  	v26 =	vld [tilespmem:s26+$0x3090]  }
0x92: {  	v27 =	vld [tilespmem:s26+$0x10A0]  }
0x93: {  	v28 =	vld [tilespmem:s26+$0x30A0]  }
0x94: {  	v41 =	vld [tilespmem:s26+$0x10B0]  }
0x95: {  	v10 =	vadd.f32 v19, v10;
	v43 =	vld [tilespmem:s26+$0x30B0];
	v14 =	vsub.f32 v14, v17;
	v20 =	vmul.f32 v20, v20  }
0x96: {  	v44 =	vld [tilespmem:s26+$0x10C0];
	v21 =	vadd.f32 $9.999999970e-07, v21;
	v11 =	vadd.f32 v18, v11  }
0x97: {  	v46 =	vld [tilespmem:s26+$0x30C0];
	v13 =	vsub.f32 v13, v16;
	v8 =	vadd.f32 v20, v8  }
0x98: {  	v47 =	vmul.f32 v21, v21;
	v14 =	vadd.f32 $9.999999970e-07, v14;
	v42 =	vsub.f32 v23, v24  }
0x99: {  	v45 =	vsub.f32 v25, v26;
	v15 =	vsub.f32 v15, v22  }
0x9a: {  	v48 =	vld [tilespmem:s26+$0x10D0];
	v9 =	vadd.f32 v47, v9;
	v50 =	vsub.f32 v27, v28  }
0x9b: {  	v51 =	vld [tilespmem:s26+$0x30D0];
	v17 =	vadd.f32 $9.999999970e-07, v42;
	v49 =	vadd.f32 $9.999999970e-07, v45  }
0x9c: {  	v52 =	vld [tilespmem:s26+$0x10E0];
	v19 =	vsub.f32 v41, v43;
	v18 =	vsub.f32 v44, v46  }
0x9d: {  	v53 =	vld [tilespmem:s26+$0x30E0];
	v16 =	vadd.f32 $9.999999970e-07, v50;
	v17 =	vmul.f32 v17, v17;
	v21 =	vmul.f32 v49, v49  }
0x9e: {  	v13 =	vadd.f32 $9.999999970e-07, v13;
	v19 =	vadd.f32 $9.999999970e-07, v19  }
0x9f: {  	v16 =	vmul.f32 v16, v16;
	v12 =	vadd.f32 v17, v12;
	v10 =	vadd.f32 v21, v10  }
0xa0: {  	v20 =	vsub.f32 v48, v51;
	v18 =	vadd.f32 $9.999999970e-07, v18  }
0xa1: {  	v19 =	vmul.f32 v19, v19;
	v11 =	vadd.f32 v16, v11;
	v10 =	vadd.f32 v10, v12  }
0xa2: {  	v54 =	vmul.f32 v14, v14;
	v56 =	vsub.f32 v52, v53;
	v55 =	vadd.f32 $9.999999970e-07, v20  }
0xa3: {  	v57 =	vmul.f32 v18, v18;
	v8 =	vadd.f32 v19, v8;
	v10 =	vadd.f32 v11, v10  }
0xa4: {  	v58 =	vmul.f32 v13, v13;
	v5 =	vadd.f32 v54, v5;
	v59 =	vadd.f32 $9.999999970e-07, v56  }
0xa5: {  	v60 =	vmul.f32 v55, v55;
	v9 =	vadd.f32 v57, v9;
	v8 =	vadd.f32 v8, v10  }
0xa6: {  	v61 =	vadd.f32 $9.999999970e-07, v15;
	v6 =	vadd.f32 v58, v6  }
0xa7: {  	v62 =	vmul.f32 v59, v59;
	v5 =	vadd.f32 v60, v5;
	v8 =	vadd.f32 v9, v8;
	_ =	sdelay $0x1  }
0xa8: {  	v63 =	vmul.f32 v61, v61;
	v6 =	vadd.f32 v62, v6;
	v5 =	vadd.f32 v5, v8;
	_ =	sdelay $0x1  }
0xa9: {  	v7 =	vadd.f32 v63, v7;
	v5 =	vadd.f32 v6, v5;
	_ =	sdelay $0x1  }
0xaa: {  	v5 =	vadd.f32 v7, v5  }
0xab: {  	[tilespmem:$0x4100] =	vst v3  }
0xac: {  	[tilespmem:$0x4080] =	vst v5  }
0xad: {  	[bflag:$0x0] =	sbarrier.arrive $0xFFFF  }
0xae: {  	[spmem:s4] =	stream.indirect.scatter.add.f32 [tilespmem:s24], [sflag:$0x5], $0x1, s23, s22, $0xb8;
	[tilespmem:$0x4188] =	vst v63  }
0xaf: {  	_ =	swait.ge [sflag:s12], $0x10  }
0xb0: {  	[sflag:s12] =	ssyncset.done $0x0  }
0xb1: {  	[sflag:s12] =	ssyncadd.s32 $0xFFFFFFF0  }
0xb2: {  	[bflag:$0x0] =	sbarrier.arrive $0xFFFF  }
0xb3: {  	[tilespmem:s24], [sflag:$0x5] =	stream.linear.gather @!p0 [spmem:s4], $0x80, $0x38;
	[tilespmem:$0x4188] =	vst v63  }
0xb4: {  	_ =	swait.ge @!p0 [sflag:s12], $0x80  }
0xb5: {  	[sflag:s12] =	ssyncset.done @!p0 $0x0  }
0xb6: {  	[sflag:s12] =	ssyncadd.s32 @!p0 $0xFFFFFF80  }
0xb7: {  	v5 =	vld @!p0 [tilespmem:$0x4080];
	_ =	sdelay $0x4  }
0xb8: {  	v6 =	vperm.xlane @!p0 v5, v0;
	_ =	sdelay $0x1  }
0xb9: {  	v5 =	vadd.f32 @!p0 v6, v5;
	_ =	sdelay $0x1  }
0xba: {  	v6 =	vperm.xlane @!p0 v5, v1;
	_ =	sdelay $0x1  }
0xbb: {  	v5 =	vadd.f32 @!p0 v6, v5;
	_ =	sdelay $0x1  }
0xbc: {  	v6 =	vperm.xlane @!p0 v5, v2;
	_ =	sdelay $0x1  }
0xbd: {  	v5 =	vadd.f32 @!p0 v6, v5;
	_ =	sdelay $0x1  }
0xbe: {  	v6 =	vperm.xlane @!p0 v5, v4;
	_ =	sdelay $0x1  }
0xbf: {  	v5 =	vadd.f32 @!p0 v6, v5;
	_ =	sdelay $0x1  }
0xc0: {  	v5 =	vadd.f32 @!p0 $-6.250000000e-02, v5;
	_ =	sdelay $0x1  }
0xc1: {  	v5 =	vmul.f32 @!p0 $6.400000000e+01, v5;
	_ =	sdelay $0x1  }
0xc2: {  	v5 =	vmax.f32 @!p0 v5, $0.0e+00  }
0xc3: {  	v6 =	vsub.f32 @!p0 $0.0e+00, v5;
	_ =	sdelay $0x1  }
0xc4: {  	v6 =	vmul.f32 @!p0 $1.442695020e+00, v6;
	_ =	sdelay $0x1  }
0xc5: {  	(erf) = vpow2.f32 @!p0 v6;
	_ =	sdelay $0x8  }
0xc6: {  	v6 =	vpop @!p0 (erf)  }
0xc7: {  	v7 =	vmul.f32 @!p0 $-2.500000000e-01, v6;
	_ =	sdelay $0x1  }
0xc8: {  	v7 =	vadd.f32 @!p0 $3.333333430e-01, v7;
	_ =	sdelay $0x1  }
0xc9: {  	v7 =	vmul.f32 @!p0 v7, v6;
	_ =	sdelay $0x1  }
0xca: {  	v7 =	vsub.f32 @!p0 $5.000000000e-01, v7;
	_ =	sdelay $0x1  }
0xcb: {  	v7 =	vmul.f32 @!p0 v7, v6;
	_ =	sdelay $0x1  }
0xcc: {  	v7 =	vsub.f32 @!p0 $1.000000000e+00, v7;
	_ =	sdelay $0x1  }
0xcd: {  	v7 =	vmul.f32 @!p0 v7, v6;
	_ =	sdelay $0x1  }
0xce: {  	v8 =	vsub.f32 @!p0 $0.0e+00, v7;
	_ =	sdelay $0x1  }
0xcf: {  	v8 =	vmul.f32 @!p0 $1.442695020e+00, v8;
	_ =	sdelay $0x1  }
0xd0: {  	(erf) = vpow2.f32 @!p0 v8;
	_ =	sdelay $0x7  }
0xd1: {  	v6 =	vadd.f32 @!p0 $1.000000000e+00, v6  }
0xd2: {  	v8 =	vpop @!p0 (erf)  }
0xd3: {  	v7 =	vadd.f32 @!p0 $-1.000000000e+00, v7;
	v8 =	vmul.f32 @!p0 v8, v6;
	_ =	sdelay $0x1  }
0xd4: {  	v7 =	vadd.f32 @!p0 v8, v7;
	_ =	sdelay $0x1  }
0xd5: {  	v8 =	vsub.f32 @!p0 $0.0e+00, v7;
	_ =	sdelay $0x1  }
0xd6: {  	v8 =	vmul.f32 @!p0 $1.442695020e+00, v8;
	_ =	sdelay $0x1  }
0xd7: {  	(erf) = vpow2.f32 @!p0 v8;
	_ =	sdelay $0x8  }
0xd8: {  	v8 =	vpop @!p0 (erf)  }
0xd9: {  	v7 =	vadd.f32 @!p0 $-1.000000000e+00, v7;
	v8 =	vmul.f32 @!p0 v8, v6;
	_ =	sdelay $0x1  }
0xda: {  	v7 =	vadd.f32 @!p0 v8, v7;
	_ =	sdelay $0x1  }
0xdb: {  	v8 =	vsub.f32 @!p0 $0.0e+00, v7;
	_ =	sdelay $0x1  }
0xdc: {  	v8 =	vmul.f32 @!p0 $1.442695020e+00, v8;
	_ =	sdelay $0x1  }
0xdd: {  	(erf) = vpow2.f32 @!p0 v8;
	_ =	sdelay $0x8  }
0xde: {  	v8 =	vpop @!p0 (erf)  }
0xdf: {  	v7 =	vadd.f32 @!p0 $-1.000000000e+00, v7;
	v6 =	vmul.f32 @!p0 v8, v6;
	_ =	sdelay $0x1  }
0xe0: {  	v6 =	vadd.f32 @!p0 v6, v7;
	_ =	sdelay $0x1  }
0xe1: {  	s25 =	sadd.s32 $0x1, s25;
	v5 =	vadd.f32 @!p0 v6, v5  }
0xe2: {  	p1 =	sne.s32 s25, s11  }
.Ltmp2:
0xe3: {  	[tilespmem:$0x4080] =	vst @!p0 v5;
	(pc) =	sbr.rel @p1 .LBB2_1-.Ltmp2, $4  }
0xe4: {  	[hbm4b:s9+s5] =	stream.linear.scatter @!p0 [tilespmem:s24], [sflag:$0x5], $0x80, $0x38;
	[tilespmem:$0x4188] =	vst v63  }
0xe5: {  	_ =	swait.ge @!p0 [sflag:s12], $0x80  }
0xe6: {  	[sflag:s12] =	ssyncset.done @!p0 $0x0  }
0xe7: {  	[sflag:s12] =	ssyncadd.s32 @!p0 $0xFFFFFF80  }
0xe8: {  	_ =	sfence.sel $0x180000  }
0xe9: {  	[bflag:$0x0] =	sbarrier.arrive $0xFFFF  }
0xea: {  	_ =	strace $0x90000047  }
0xeb: {  	s0 =	sadd.s32 @!p0 $0x100000, s2;
	[bflag:$0x2] =	sbarrier.arrive $0xFFFF  }
0xec: {  	[sflag:s0] =	ssyncadd.tile.s32 @!p0 $0x1;
	_ =	shalt  }
.Lfunc_end2:
_tile_overlayer_lowered:
.L_overlay_start_2:
0xed: {  	(tag) =	ssettag $0x2  }
0xee: {  	s0 =	rddreg [dreg:$0x0];
	s2 =	stileid.u32  }
0xef: {  	s1 =	rddreg [dreg:$0x1];
	p0 =	sne.s32 s2, $0x0  }
0xf0: {  	s3 =	rddreg [dreg:$0x2];
	[bflag:$0x3] =	sbarrier.arrive $0xFFFF;
	s2 =	simm.s32 @!p0 $0x1C05  }
0xf1: {  	[timem:s3], [sflag:s2] =	dma.local @!p0 [hbm:s0], s1  }
0xf2: {  	s0 =	simm.s32 @!p0 $0x5  }
0xf3: {  	_ =	swait.ge @!p0 [sflag:s0], s1  }
0xf4: {  	s1 =	ssub.s32 @!p0 $0x0, s1;
	[sflag:s0] =	ssyncset.done @!p0 $0x0  }
0xf5: {  	[sflag:s0] =	ssyncadd.s32 @!p0 s1  }
0xf6: {  	[bflag:$0x3] =	sbarrier.arrive $0xFFFF  }
0xf7: {  	_ =	shalt  }

</sc_bundles>
